<compile_context>
chip_gen: v7x
topology: tpu7x:2x2x1
jax: 0.10.2.dev20260603
libtpu: 0.0.44.dev20260713+nightly
codegen_flags: <defaults>
</compile_context>

<pallas_src>
import functools

import jax
import jax.numpy as jnp
from jax import lax
from jax.experimental import pallas as pl
from jax.experimental.pallas import tpu as pltpu
from jax.experimental.pallas import tpu_sc as plsc

N = 10000
NPAD = 10240
E = 320000
F_IN = 128
H1, H2, H3, C = 64, 32, 16, 4

HP = 128

NC, NS, L = 2, 16, 16
NW = NC * NS
B = 128
WIN = 80
EPT = B * WIN
E_PAD = EPT * NW
SEG = NPAD // NS

_mesh = plsc.VectorSubcoreMesh(core_axis_name="c", subcore_axis_name="s")


@functools.partial(
    pl.kernel,
    out_type=jax.ShapeDtypeStruct((E_PAD, HP), jnp.float32),
    mesh=_mesh,
    scratch_types=[
        pltpu.VMEM((B,), jnp.int32),
        pltpu.VMEM((B, HP), jnp.float32),
        pltpu.VMEM_SHARED((NPAD, HP), jnp.float32),
        pltpu.SemaphoreType.DMA,
    ],
)
def _gather_kernel(ht_h, src_h, out, idx_v, rows_v, tab_sh, sem):
  c = lax.axis_index("c")
  s = lax.axis_index("s")
  wid = s * NC + c
  base = wid * EPT

  for k in range(SEG // B):
    r0 = s * SEG + k * B
    pltpu.sync_copy(ht_h.at[pl.ds(r0, B)], rows_v)
    pltpu.sync_copy(rows_v, tab_sh.at[pl.ds(r0, B)])
  plsc.subcore_barrier()

  def body(w, carry):
    off = base + w * B
    pltpu.sync_copy(src_h.at[pl.ds(off, B)], idx_v)
    pltpu.async_copy(tab_sh.at[idx_v], rows_v, sem).wait()
    pltpu.sync_copy(rows_v, out.at[pl.ds(off, B)])
    return carry

  lax.fori_loop(0, WIN, body, 0)


@functools.partial(
    pl.kernel,
    out_type=jax.ShapeDtypeStruct((NC * NPAD, HP), jnp.float32),
    mesh=_mesh,
    scratch_types=[
        pltpu.VMEM((B,), jnp.int32),
        pltpu.VMEM((B, HP), jnp.float32),
        pltpu.VMEM_SHARED((NPAD, HP), jnp.float32),
    ],
)
def _scatter_kernel(msg_h, dst_h, zero_h, out, idx_v, val_v, agg_sh):
  c = lax.axis_index("c")
  s = lax.axis_index("s")
  wid = s * NC + c
  base = wid * EPT

  pltpu.sync_copy(zero_h.at[pl.ds(0, B)], val_v)
  for k in range(SEG // B):
    pltpu.sync_copy(val_v, agg_sh.at[pl.ds(s * SEG + k * B, B)])
  plsc.subcore_barrier()

  def body(w, carry):
    off = base + w * B
    pltpu.sync_copy(dst_h.at[pl.ds(off, B)], idx_v)
    pltpu.sync_copy(msg_h.at[pl.ds(off, B)], val_v)
    pltpu.sync_copy(val_v, agg_sh.at[idx_v], add=True)
    return carry

  lax.fori_loop(0, WIN, body, 0)
  plsc.subcore_barrier()
  for k in range(SEG // B):
    pltpu.sync_copy(agg_sh.at[pl.ds(s * SEG + k * B, B)], val_v)
    pltpu.sync_copy(val_v, out.at[pl.ds(c * NPAD + s * SEG + k * B, B)])


def _pre_body(x_ref, w_ref, dega_ref, degb_ref, ht_ref, htp_ref, dinv_ref):
  deg = dega_ref[...] + degb_ref[...] + 1.0
  dinv = lax.rsqrt(deg)
  h = jnp.dot(x_ref[...], w_ref[...], preferred_element_type=jnp.float32)
  hd = h * dinv
  ht_ref[...] = hd
  htp_ref[...] = jnp.concatenate([hd, jnp.zeros_like(hd)], axis=1)
  dinv_ref[...] = dinv


_pre_call = pl.pallas_call(
    _pre_body,
    out_shape=[
        jax.ShapeDtypeStruct((N, H1), jnp.float32),
        jax.ShapeDtypeStruct((N, HP), jnp.float32),
        jax.ShapeDtypeStruct((N, 1), jnp.float32),
    ],
)

_SCALE_ROWS = 4096


def _scale_body(msg_ref, ew_ref, out_ref):
  out_ref[...] = msg_ref[...] * ew_ref[...]


_scale_call = pl.pallas_call(
    _scale_body,
    grid=(E_PAD // _SCALE_ROWS,),
    in_specs=[
        pl.BlockSpec((_SCALE_ROWS, HP), lambda i: (i, 0)),
        pl.BlockSpec((_SCALE_ROWS, 1), lambda i: (i, 0)),
    ],
    out_specs=pl.BlockSpec((_SCALE_ROWS, HP), lambda i: (i, 0)),
    out_shape=jax.ShapeDtypeStruct((E_PAD, HP), jnp.float32),
)


def _post_body(agga_ref, aggb_ref, ht_ref, dinv_ref, bg_ref,
               w1_ref, b1_ref, w2_ref, b2_ref, w3_ref, b3_ref, out_ref):
  a = (agga_ref[:, :H1] + aggb_ref[:, :H1] + ht_ref[...]) * dinv_ref[...]
  a = jnp.maximum(a + bg_ref[...], 0.0)
  a = jnp.maximum(
      jnp.dot(a, w1_ref[...], preferred_element_type=jnp.float32)
      + b1_ref[...], 0.0)
  a = jnp.maximum(
      jnp.dot(a, w2_ref[...], preferred_element_type=jnp.float32)
      + b2_ref[...], 0.0)
  z = jnp.dot(a, w3_ref[...], preferred_element_type=jnp.float32) + b3_ref[...]
  m = jnp.max(z, axis=1, keepdims=True)
  lse = jnp.log(jnp.sum(jnp.exp(z - m), axis=1, keepdims=True)) + m
  out_ref[...] = z - lse


_post_call = pl.pallas_call(
    _post_body,
    out_shape=jax.ShapeDtypeStruct((N, C), jnp.float32),
)


def kernel(x, edge_index, edges_weight, W_gcn, b_gcn, W1, b1, W2, b2, W3, b3):
  pad = E_PAD - E
  src = jnp.concatenate([edge_index[0], jnp.zeros((pad,), jnp.int32)])
  dst = jnp.concatenate([edge_index[1], jnp.zeros((pad,), jnp.int32)])
  ew = jnp.concatenate([edges_weight, jnp.zeros((pad,), jnp.float32)])
  zero128 = jnp.zeros((B, HP), jnp.float32)

  ews128 = jnp.broadcast_to(ew[:, None], (E_PAD, HP))
  degp = _scatter_kernel(ews128, dst, zero128)
  dega = degp[:N, 0:1]
  degb = degp[NPAD:NPAD + N, 0:1]

  ht, htp, dinv = _pre_call(x, W_gcn, dega, degb)

  htp = jnp.pad(htp, ((0, NPAD - N), (0, 0)))
  msgs = _gather_kernel(htp, src)
  msgs = _scale_call(msgs, ew[:, None])
  aggp = _scatter_kernel(msgs, dst, zero128)

  return _post_call(aggp[:N], aggp[NPAD:NPAD + N], ht, dinv,
                    b_gcn.reshape(1, H1), W1, b1.reshape(1, H2),
                    W2, b2.reshape(1, H3), W3, b3.reshape(1, C))

# --- scband reference (transcript-rebuilt; emitter-appended) ---
"""Pipeline reference for scband-net-14147622273468 (READ-ONLY COPY).

The authoritative reference and input builder live on the scoring server;
editing this copy changes nothing except your own understanding.
"""

import jax, jax.numpy as jnp
import numpy as np

N = 10000
E = 320000
F_IN = 128
H1, H2, H3 = 64, 32, 16
C = 4


def _glorot(key, shape):
    fan_in, fan_out = shape[0], shape[1]
    lim = (6.0 / (fan_in + fan_out)) ** 0.5
    return jax.random.uniform(key, shape, dtype=jnp.float32, minval=-lim, maxval=lim)


def setup_inputs(seed: int = 0) -> dict:
    key = jax.random.key(seed)
    ks = jax.random.split(key, 12)
    x = jax.random.normal(ks[0], (N, F_IN), dtype=jnp.float32)
    edge_index = jax.random.randint(ks[1], (2, E), 0, N, dtype=jnp.int32)
    edges_weight = jax.random.uniform(ks[2], (E,), dtype=jnp.float32)
    W_gcn = _glorot(ks[3], (F_IN, H1))
    b_gcn = jnp.zeros((H1,), dtype=jnp.float32)
    W1 = _glorot(ks[4], (H1, H2))
    b1 = jnp.zeros((H2,), dtype=jnp.float32)
    W2 = _glorot(ks[5], (H2, H3))
    b2 = jnp.zeros((H3,), dtype=jnp.float32)
    W3 = _glorot(ks[6], (H3, C))
    b3 = jnp.zeros((C,), dtype=jnp.float32)
    return {"x": x, "edge_index": edge_index, "edges_weight": edges_weight,
            "W_gcn": W_gcn, "b_gcn": b_gcn, "W1": W1, "b1": b1,
            "W2": W2, "b2": b2, "W3": W3, "b3": b3}


def _gcn_conv(x, edge_index, edge_weight, W, b):
    n = x.shape[0]
    src = edge_index[0]
    dst = edge_index[1]
    # add self loops with weight 1 (PyG GCNConv default)
    loop = jnp.arange(n, dtype=src.dtype)
    src = jnp.concatenate([src, loop])
    dst = jnp.concatenate([dst, loop])
    ew = jnp.concatenate([edge_weight, jnp.ones((n,), dtype=x.dtype)])
    # symmetric normalization D^-1/2 A D^-1/2
    deg = jnp.zeros((n,), dtype=x.dtype).at[dst].add(ew)
    dinv = jnp.where(deg > 0, deg ** -0.5, 0.0)
    norm = dinv[src] * ew * dinv[dst]
    h = x @ W
    msg = h[src] * norm[:, None]
    out = jnp.zeros((n, W.shape[1]), dtype=x.dtype).at[dst].add(msg)
    return out + b


def reference(x, edge_index, edges_weight, W_gcn, b_gcn, W1, b1, W2, b2, W3, b3):
    h = _gcn_conv(x, edge_index, edges_weight, W_gcn, b_gcn)
    h = jax.nn.relu(h)
    h = jax.nn.relu(h @ W1 + b1)
    h = jax.nn.relu(h @ W2 + b2)
    h = h @ W3 + b3
    return jax.nn.log_softmax(h, axis=1)

if __name__ == "__main__":
    import jax
    _d = setup_inputs()
    print(jax.jit(kernel)(*tuple(_d.values())))

</pallas_src>

<mosaic_0001>
#map = affine_map<(d0, d1) -> (0, 0)>
#map1 = affine_map<(d0, d1) -> (0)>
module attributes {stable_mosaic.version = 14 : i64} {
  func.func @_gather_kernel(%arg0: i32, %arg1: i32, %arg2: memref<10240x128xf32, #tpu.memory_space<hbm>>, %arg3: memref<327680xi32, #tpu.memory_space<hbm>>, %arg4: memref<327680x128xf32, #tpu.memory_space<hbm>>, %arg5: memref<128xi32, #tpu.memory_space<vmem>>, %arg6: memref<128x128xf32, #tpu.memory_space<vmem>>, %arg7: memref<10240x128xf32, #tpu.memory_space<vmem_shared>>, %arg8: memref<!tpu.dma_semaphore, #tpu.memory_space<semaphore_mem>>) attributes {dimension_semantics = [#tpu.dimension_semantics<core_parallel>, #tpu.dimension_semantics<subcore_parallel>], iteration_bounds = array<i64: 2, 16>, scalar_prefetch = 0 : i64, scratch_operands = 4 : i64, tpu.core_type = #tpu.core_type<sc_vector_subcore>, window_params = [{transform_indices = #map}, {transform_indices = #map1}, {transform_indices = #map}]} {
    %mul3A = arith.constant 2 : i32
    %mul3A_0 = arith.muli %arg1, %mul3A : i32
    %add3A = arith.addi %mul3A_0, %arg0 : i32
    %mul3A_1 = arith.constant 10240 : i32
    %mul3A_2 = arith.muli %add3A, %mul3A_1 : i32
    %mul3A_3 = arith.constant 640 : i32
    %mul3A_4 = arith.muli %arg1, %mul3A_3 : i32
    %add3A_5 = arith.constant 0 : i32
    %add3A_6 = arith.addi %mul3A_4, %add3A_5 : i32
    "tpu.region"() ({
      %run_scoped3A = tpu.sem_alloc : memref<!tpu.dma_semaphore, #tpu.memory_space<semaphore_mem>>
      %dma_start3A = arith.constant 0 : i32
      %dma_start3A_28 = tpu.memref_slice %arg2[%add3A_6, %dma_start3A] : memref<10240x128xf32, #tpu.memory_space<hbm>> -> memref<128x128xf32, #tpu.memory_space<hbm>>
      %dma_start3A_29 = arith.constant 0 : i32
      %dma_start3A_30 = tpu.memref_slice %arg2[%add3A_6, %dma_start3A_29] : memref<10240x128xf32, #tpu.memory_space<hbm>> -> memref<128x128xf32, #tpu.memory_space<hbm>>
      tpu.enqueue_dma source(%dma_start3A_30 : memref<128x128xf32, #tpu.memory_space<hbm>>) target(%arg6 : memref<128x128xf32, #tpu.memory_space<vmem>>) target_semaphore(%run_scoped3A : memref<!tpu.dma_semaphore, #tpu.memory_space<semaphore_mem>>)
      %dma_wait3A = arith.constant 0 : i32
      %dma_wait3A_31 = tpu.memref_slice %arg2[%add3A_6, %dma_wait3A] : memref<10240x128xf32, #tpu.memory_space<hbm>> -> memref<128x128xf32, #tpu.memory_space<hbm>>
      %dma_wait3A_32 = arith.constant 0 : i32
      %dma_wait3A_33 = tpu.memref_slice %arg2[%add3A_6, %dma_wait3A_32] : memref<10240x128xf32, #tpu.memory_space<hbm>> -> memref<128x128xf32, #tpu.memory_space<hbm>>
      tpu.wait_dma2 semaphore(%run_scoped3A : memref<!tpu.dma_semaphore, #tpu.memory_space<semaphore_mem>>) src(%dma_wait3A_33 : memref<128x128xf32, #tpu.memory_space<hbm>>) dst(%arg6 : memref<128x128xf32, #tpu.memory_space<vmem>>)
      tpu.yield
    }) : () -> ()
    "tpu.region"() ({
      %run_scoped3A = tpu.sem_alloc : memref<!tpu.dma_semaphore, #tpu.memory_space<semaphore_mem>>
      %dma_start3A = arith.constant 0 : i32
      %dma_start3A_28 = tpu.memref_slice %arg7[%add3A_6, %dma_start3A] : memref<10240x128xf32, #tpu.memory_space<vmem_shared>> -> memref<128x128xf32, #tpu.memory_space<vmem_shared>>
      %dma_start3A_29 = arith.constant 0 : i32
      %dma_start3A_30 = tpu.memref_slice %arg7[%add3A_6, %dma_start3A_29] : memref<10240x128xf32, #tpu.memory_space<vmem_shared>> -> memref<128x128xf32, #tpu.memory_space<vmem_shared>>
      tpu.enqueue_dma source(%arg6 : memref<128x128xf32, #tpu.memory_space<vmem>>) target(%dma_start3A_30 : memref<128x128xf32, #tpu.memory_space<vmem_shared>>) target_semaphore(%run_scoped3A : memref<!tpu.dma_semaphore, #tpu.memory_space<semaphore_mem>>)
      %dma_wait3A = arith.constant 0 : i32
      %dma_wait3A_31 = tpu.memref_slice %arg7[%add3A_6, %dma_wait3A] : memref<10240x128xf32, #tpu.memory_space<vmem_shared>> -> memref<128x128xf32, #tpu.memory_space<vmem_shared>>
      %dma_wait3A_32 = arith.constant 0 : i32
      %dma_wait3A_33 = tpu.memref_slice %arg7[%add3A_6, %dma_wait3A_32] : memref<10240x128xf32, #tpu.memory_space<vmem_shared>> -> memref<128x128xf32, #tpu.memory_space<vmem_shared>>
      tpu.wait_dma2 semaphore(%run_scoped3A : memref<!tpu.dma_semaphore, #tpu.memory_space<semaphore_mem>>) src(%arg6 : memref<128x128xf32, #tpu.memory_space<vmem>>) dst(%dma_wait3A_33 : memref<128x128xf32, #tpu.memory_space<vmem_shared>>)
      tpu.yield
    }) : () -> ()
    %mul3A_7 = arith.constant 640 : i32
    %mul3A_8 = arith.muli %arg1, %mul3A_7 : i32
    %add3A_9 = arith.constant 128 : i32
    %add3A_10 = arith.addi %mul3A_8, %add3A_9 : i32
    "tpu.region"() ({
      %run_scoped3A = tpu.sem_alloc : memref<!tpu.dma_semaphore, #tpu.memory_space<semaphore_mem>>
      %dma_start3A = arith.constant 0 : i32
      %dma_start3A_28 = tpu.memref_slice %arg2[%add3A_10, %dma_start3A] : memref<10240x128xf32, #tpu.memory_space<hbm>> -> memref<128x128xf32, #tpu.memory_space<hbm>>
      %dma_start3A_29 = arith.constant 0 : i32
      %dma_start3A_30 = tpu.memref_slice %arg2[%add3A_10, %dma_start3A_29] : memref<10240x128xf32, #tpu.memory_space<hbm>> -> memref<128x128xf32, #tpu.memory_space<hbm>>
      tpu.enqueue_dma source(%dma_start3A_30 : memref<128x128xf32, #tpu.memory_space<hbm>>) target(%arg6 : memref<128x128xf32, #tpu.memory_space<vmem>>) target_semaphore(%run_scoped3A : memref<!tpu.dma_semaphore, #tpu.memory_space<semaphore_mem>>)
      %dma_wait3A = arith.constant 0 : i32
      %dma_wait3A_31 = tpu.memref_slice %arg2[%add3A_10, %dma_wait3A] : memref<10240x128xf32, #tpu.memory_space<hbm>> -> memref<128x128xf32, #tpu.memory_space<hbm>>
      %dma_wait3A_32 = arith.constant 0 : i32
      %dma_wait3A_33 = tpu.memref_slice %arg2[%add3A_10, %dma_wait3A_32] : memref<10240x128xf32, #tpu.memory_space<hbm>> -> memref<128x128xf32, #tpu.memory_space<hbm>>
      tpu.wait_dma2 semaphore(%run_scoped3A : memref<!tpu.dma_semaphore, #tpu.memory_space<semaphore_mem>>) src(%dma_wait3A_33 : memref<128x128xf32, #tpu.memory_space<hbm>>) dst(%arg6 : memref<128x128xf32, #tpu.memory_space<vmem>>)
      tpu.yield
    }) : () -> ()
    "tpu.region"() ({
      %run_scoped3A = tpu.sem_alloc : memref<!tpu.dma_semaphore, #tpu.memory_space<semaphore_mem>>
      %dma_start3A = arith.constant 0 : i32
      %dma_start3A_28 = tpu.memref_slice %arg7[%add3A_10, %dma_start3A] : memref<10240x128xf32, #tpu.memory_space<vmem_shared>> -> memref<128x128xf32, #tpu.memory_space<vmem_shared>>
      %dma_start3A_29 = arith.constant 0 : i32
      %dma_start3A_30 = tpu.memref_slice %arg7[%add3A_10, %dma_start3A_29] : memref<10240x128xf32, #tpu.memory_space<vmem_shared>> -> memref<128x128xf32, #tpu.memory_space<vmem_shared>>
      tpu.enqueue_dma source(%arg6 : memref<128x128xf32, #tpu.memory_space<vmem>>) target(%dma_start3A_30 : memref<128x128xf32, #tpu.memory_space<vmem_shared>>) target_semaphore(%run_scoped3A : memref<!tpu.dma_semaphore, #tpu.memory_space<semaphore_mem>>)
      %dma_wait3A = arith.constant 0 : i32
      %dma_wait3A_31 = tpu.memref_slice %arg7[%add3A_10, %dma_wait3A] : memref<10240x128xf32, #tpu.memory_space<vmem_shared>> -> memref<128x128xf32, #tpu.memory_space<vmem_shared>>
      %dma_wait3A_32 = arith.constant 0 : i32
      %dma_wait3A_33 = tpu.memref_slice %arg7[%add3A_10, %dma_wait3A_32] : memref<10240x128xf32, #tpu.memory_space<vmem_shared>> -> memref<128x128xf32, #tpu.memory_space<vmem_shared>>
      tpu.wait_dma2 semaphore(%run_scoped3A : memref<!tpu.dma_semaphore, #tpu.memory_space<semaphore_mem>>) src(%arg6 : memref<128x128xf32, #tpu.memory_space<vmem>>) dst(%dma_wait3A_33 : memref<128x128xf32, #tpu.memory_space<vmem_shared>>)
      tpu.yield
    }) : () -> ()
    %mul3A_11 = arith.constant 640 : i32
    %mul3A_12 = arith.muli %arg1, %mul3A_11 : i32
    %add3A_13 = arith.constant 256 : i32
    %add3A_14 = arith.addi %mul3A_12, %add3A_13 : i32
    "tpu.region"() ({
      %run_scoped3A = tpu.sem_alloc : memref<!tpu.dma_semaphore, #tpu.memory_space<semaphore_mem>>
      %dma_start3A = arith.constant 0 : i32
      %dma_start3A_28 = tpu.memref_slice %arg2[%add3A_14, %dma_start3A] : memref<10240x128xf32, #tpu.memory_space<hbm>> -> memref<128x128xf32, #tpu.memory_space<hbm>>
      %dma_start3A_29 = arith.constant 0 : i32
      %dma_start3A_30 = tpu.memref_slice %arg2[%add3A_14, %dma_start3A_29] : memref<10240x128xf32, #tpu.memory_space<hbm>> -> memref<128x128xf32, #tpu.memory_space<hbm>>
      tpu.enqueue_dma source(%dma_start3A_30 : memref<128x128xf32, #tpu.memory_space<hbm>>) target(%arg6 : memref<128x128xf32, #tpu.memory_space<vmem>>) target_semaphore(%run_scoped3A : memref<!tpu.dma_semaphore, #tpu.memory_space<semaphore_mem>>)
      %dma_wait3A = arith.constant 0 : i32
      %dma_wait3A_31 = tpu.memref_slice %arg2[%add3A_14, %dma_wait3A] : memref<10240x128xf32, #tpu.memory_space<hbm>> -> memref<128x128xf32, #tpu.memory_space<hbm>>
      %dma_wait3A_32 = arith.constant 0 : i32
      %dma_wait3A_33 = tpu.memref_slice %arg2[%add3A_14, %dma_wait3A_32] : memref<10240x128xf32, #tpu.memory_space<hbm>> -> memref<128x128xf32, #tpu.memory_space<hbm>>
      tpu.wait_dma2 semaphore(%run_scoped3A : memref<!tpu.dma_semaphore, #tpu.memory_space<semaphore_mem>>) src(%dma_wait3A_33 : memref<128x128xf32, #tpu.memory_space<hbm>>) dst(%arg6 : memref<128x128xf32, #tpu.memory_space<vmem>>)
      tpu.yield
    }) : () -> ()
    "tpu.region"() ({
      %run_scoped3A = tpu.sem_alloc : memref<!tpu.dma_semaphore, #tpu.memory_space<semaphore_mem>>
      %dma_start3A = arith.constant 0 : i32
      %dma_start3A_28 = tpu.memref_slice %arg7[%add3A_14, %dma_start3A] : memref<10240x128xf32, #tpu.memory_space<vmem_shared>> -> memref<128x128xf32, #tpu.memory_space<vmem_shared>>
      %dma_start3A_29 = arith.constant 0 : i32
      %dma_start3A_30 = tpu.memref_slice %arg7[%add3A_14, %dma_start3A_29] : memref<10240x128xf32, #tpu.memory_space<vmem_shared>> -> memref<128x128xf32, #tpu.memory_space<vmem_shared>>
      tpu.enqueue_dma source(%arg6 : memref<128x128xf32, #tpu.memory_space<vmem>>) target(%dma_start3A_30 : memref<128x128xf32, #tpu.memory_space<vmem_shared>>) target_semaphore(%run_scoped3A : memref<!tpu.dma_semaphore, #tpu.memory_space<semaphore_mem>>)
      %dma_wait3A = arith.constant 0 : i32
      %dma_wait3A_31 = tpu.memref_slice %arg7[%add3A_14, %dma_wait3A] : memref<10240x128xf32, #tpu.memory_space<vmem_shared>> -> memref<128x128xf32, #tpu.memory_space<vmem_shared>>
      %dma_wait3A_32 = arith.constant 0 : i32
      %dma_wait3A_33 = tpu.memref_slice %arg7[%add3A_14, %dma_wait3A_32] : memref<10240x128xf32, #tpu.memory_space<vmem_shared>> -> memref<128x128xf32, #tpu.memory_space<vmem_shared>>
      tpu.wait_dma2 semaphore(%run_scoped3A : memref<!tpu.dma_semaphore, #tpu.memory_space<semaphore_mem>>) src(%arg6 : memref<128x128xf32, #tpu.memory_space<vmem>>) dst(%dma_wait3A_33 : memref<128x128xf32, #tpu.memory_space<vmem_shared>>)
      tpu.yield
    }) : () -> ()
    %mul3A_15 = arith.constant 640 : i32
    %mul3A_16 = arith.muli %arg1, %mul3A_15 : i32
    %add3A_17 = arith.constant 384 : i32
    %add3A_18 = arith.addi %mul3A_16, %add3A_17 : i32
    "tpu.region"() ({
      %run_scoped3A = tpu.sem_alloc : memref<!tpu.dma_semaphore, #tpu.memory_space<semaphore_mem>>
      %dma_start3A = arith.constant 0 : i32
      %dma_start3A_28 = tpu.memref_slice %arg2[%add3A_18, %dma_start3A] : memref<10240x128xf32, #tpu.memory_space<hbm>> -> memref<128x128xf32, #tpu.memory_space<hbm>>
      %dma_start3A_29 = arith.constant 0 : i32
      %dma_start3A_30 = tpu.memref_slice %arg2[%add3A_18, %dma_start3A_29] : memref<10240x128xf32, #tpu.memory_space<hbm>> -> memref<128x128xf32, #tpu.memory_space<hbm>>
      tpu.enqueue_dma source(%dma_start3A_30 : memref<128x128xf32, #tpu.memory_space<hbm>>) target(%arg6 : memref<128x128xf32, #tpu.memory_space<vmem>>) target_semaphore(%run_scoped3A : memref<!tpu.dma_semaphore, #tpu.memory_space<semaphore_mem>>)
      %dma_wait3A = arith.constant 0 : i32
      %dma_wait3A_31 = tpu.memref_slice %arg2[%add3A_18, %dma_wait3A] : memref<10240x128xf32, #tpu.memory_space<hbm>> -> memref<128x128xf32, #tpu.memory_space<hbm>>
      %dma_wait3A_32 = arith.constant 0 : i32
      %dma_wait3A_33 = tpu.memref_slice %arg2[%add3A_18, %dma_wait3A_32] : memref<10240x128xf32, #tpu.memory_space<hbm>> -> memref<128x128xf32, #tpu.memory_space<hbm>>
      tpu.wait_dma2 semaphore(%run_scoped3A : memref<!tpu.dma_semaphore, #tpu.memory_space<semaphore_mem>>) src(%dma_wait3A_33 : memref<128x128xf32, #tpu.memory_space<hbm>>) dst(%arg6 : memref<128x128xf32, #tpu.memory_space<vmem>>)
      tpu.yield
    }) : () -> ()
    "tpu.region"() ({
      %run_scoped3A = tpu.sem_alloc : memref<!tpu.dma_semaphore, #tpu.memory_space<semaphore_mem>>
      %dma_start3A = arith.constant 0 : i32
      %dma_start3A_28 = tpu.memref_slice %arg7[%add3A_18, %dma_start3A] : memref<10240x128xf32, #tpu.memory_space<vmem_shared>> -> memref<128x128xf32, #tpu.memory_space<vmem_shared>>
      %dma_start3A_29 = arith.constant 0 : i32
      %dma_start3A_30 = tpu.memref_slice %arg7[%add3A_18, %dma_start3A_29] : memref<10240x128xf32, #tpu.memory_space<vmem_shared>> -> memref<128x128xf32, #tpu.memory_space<vmem_shared>>
      tpu.enqueue_dma source(%arg6 : memref<128x128xf32, #tpu.memory_space<vmem>>) target(%dma_start3A_30 : memref<128x128xf32, #tpu.memory_space<vmem_shared>>) target_semaphore(%run_scoped3A : memref<!tpu.dma_semaphore, #tpu.memory_space<semaphore_mem>>)
      %dma_wait3A = arith.constant 0 : i32
      %dma_wait3A_31 = tpu.memref_slice %arg7[%add3A_18, %dma_wait3A] : memref<10240x128xf32, #tpu.memory_space<vmem_shared>> -> memref<128x128xf32, #tpu.memory_space<vmem_shared>>
      %dma_wait3A_32 = arith.constant 0 : i32
      %dma_wait3A_33 = tpu.memref_slice %arg7[%add3A_18, %dma_wait3A_32] : memref<10240x128xf32, #tpu.memory_space<vmem_shared>> -> memref<128x128xf32, #tpu.memory_space<vmem_shared>>
      tpu.wait_dma2 semaphore(%run_scoped3A : memref<!tpu.dma_semaphore, #tpu.memory_space<semaphore_mem>>) src(%arg6 : memref<128x128xf32, #tpu.memory_space<vmem>>) dst(%dma_wait3A_33 : memref<128x128xf32, #tpu.memory_space<vmem_shared>>)
      tpu.yield
    }) : () -> ()
    %mul3A_19 = arith.constant 640 : i32
    %mul3A_20 = arith.muli %arg1, %mul3A_19 : i32
    %add3A_21 = arith.constant 512 : i32
    %add3A_22 = arith.addi %mul3A_20, %add3A_21 : i32
    "tpu.region"() ({
      %run_scoped3A = tpu.sem_alloc : memref<!tpu.dma_semaphore, #tpu.memory_space<semaphore_mem>>
      %dma_start3A = arith.constant 0 : i32
      %dma_start3A_28 = tpu.memref_slice %arg2[%add3A_22, %dma_start3A] : memref<10240x128xf32, #tpu.memory_space<hbm>> -> memref<128x128xf32, #tpu.memory_space<hbm>>
      %dma_start3A_29 = arith.constant 0 : i32
      %dma_start3A_30 = tpu.memref_slice %arg2[%add3A_22, %dma_start3A_29] : memref<10240x128xf32, #tpu.memory_space<hbm>> -> memref<128x128xf32, #tpu.memory_space<hbm>>
      tpu.enqueue_dma source(%dma_start3A_30 : memref<128x128xf32, #tpu.memory_space<hbm>>) target(%arg6 : memref<128x128xf32, #tpu.memory_space<vmem>>) target_semaphore(%run_scoped3A : memref<!tpu.dma_semaphore, #tpu.memory_space<semaphore_mem>>)
      %dma_wait3A = arith.constant 0 : i32
      %dma_wait3A_31 = tpu.memref_slice %arg2[%add3A_22, %dma_wait3A] : memref<10240x128xf32, #tpu.memory_space<hbm>> -> memref<128x128xf32, #tpu.memory_space<hbm>>
      %dma_wait3A_32 = arith.constant 0 : i32
      %dma_wait3A_33 = tpu.memref_slice %arg2[%add3A_22, %dma_wait3A_32] : memref<10240x128xf32, #tpu.memory_space<hbm>> -> memref<128x128xf32, #tpu.memory_space<hbm>>
      tpu.wait_dma2 semaphore(%run_scoped3A : memref<!tpu.dma_semaphore, #tpu.memory_space<semaphore_mem>>) src(%dma_wait3A_33 : memref<128x128xf32, #tpu.memory_space<hbm>>) dst(%arg6 : memref<128x128xf32, #tpu.memory_space<vmem>>)
      tpu.yield
    }) : () -> ()
    "tpu.region"() ({
      %run_scoped3A = tpu.sem_alloc : memref<!tpu.dma_semaphore, #tpu.memory_space<semaphore_mem>>
      %dma_start3A = arith.constant 0 : i32
      %dma_start3A_28 = tpu.memref_slice %arg7[%add3A_22, %dma_start3A] : memref<10240x128xf32, #tpu.memory_space<vmem_shared>> -> memref<128x128xf32, #tpu.memory_space<vmem_shared>>
      %dma_start3A_29 = arith.constant 0 : i32
      %dma_start3A_30 = tpu.memref_slice %arg7[%add3A_22, %dma_start3A_29] : memref<10240x128xf32, #tpu.memory_space<vmem_shared>> -> memref<128x128xf32, #tpu.memory_space<vmem_shared>>
      tpu.enqueue_dma source(%arg6 : memref<128x128xf32, #tpu.memory_space<vmem>>) target(%dma_start3A_30 : memref<128x128xf32, #tpu.memory_space<vmem_shared>>) target_semaphore(%run_scoped3A : memref<!tpu.dma_semaphore, #tpu.memory_space<semaphore_mem>>)
      %dma_wait3A = arith.constant 0 : i32
      %dma_wait3A_31 = tpu.memref_slice %arg7[%add3A_22, %dma_wait3A] : memref<10240x128xf32, #tpu.memory_space<vmem_shared>> -> memref<128x128xf32, #tpu.memory_space<vmem_shared>>
      %dma_wait3A_32 = arith.constant 0 : i32
      %dma_wait3A_33 = tpu.memref_slice %arg7[%add3A_22, %dma_wait3A_32] : memref<10240x128xf32, #tpu.memory_space<vmem_shared>> -> memref<128x128xf32, #tpu.memory_space<vmem_shared>>
      tpu.wait_dma2 semaphore(%run_scoped3A : memref<!tpu.dma_semaphore, #tpu.memory_space<semaphore_mem>>) src(%arg6 : memref<128x128xf32, #tpu.memory_space<vmem>>) dst(%dma_wait3A_33 : memref<128x128xf32, #tpu.memory_space<vmem_shared>>)
      tpu.yield
    }) : () -> ()
    %barrier3A = arith.constant 0 : index
    tpu.barrier barrier_id(%barrier3A)
    %scan3A = arith.constant 0 : i32
    %scan3A_23 = arith.constant 0 : i32
    %scan3A_24 = arith.constant 80 : i32
    %scan3A_25 = arith.addi %scan3A_23, %scan3A_24 : i32
    %scan3A_26 = arith.constant 1 : i32
    scf.for %scan3A_28 = %scan3A_23 to %scan3A_25 step %scan3A_26  : i32 {
      %mul3A_29 = arith.constant 128 : i32
      %mul3A_30 = arith.muli %scan3A_28, %mul3A_29 : i32
      %add3A_31 = arith.addi %mul3A_2, %mul3A_30 : i32
      "tpu.region"() ({
        %run_scoped3A = tpu.sem_alloc : memref<!tpu.dma_semaphore, #tpu.memory_space<semaphore_mem>>
        %dma_start3A_36 = tpu.memref_slice %arg3[%add3A_31] : memref<327680xi32, #tpu.memory_space<hbm>> -> memref<128xi32, #tpu.memory_space<hbm>>
        %dma_start3A_37 = tpu.memref_slice %arg3[%add3A_31] : memref<327680xi32, #tpu.memory_space<hbm>> -> memref<128xi32, #tpu.memory_space<hbm>>
        tpu.enqueue_dma source(%dma_start3A_37 : memref<128xi32, #tpu.memory_space<hbm>>) target(%arg5 : memref<128xi32, #tpu.memory_space<vmem>>) target_semaphore(%run_scoped3A : memref<!tpu.dma_semaphore, #tpu.memory_space<semaphore_mem>>)
        %dma_wait3A_38 = tpu.memref_slice %arg3[%add3A_31] : memref<327680xi32, #tpu.memory_space<hbm>> -> memref<128xi32, #tpu.memory_space<hbm>>
        %dma_wait3A_39 = tpu.memref_slice %arg3[%add3A_31] : memref<327680xi32, #tpu.memory_space<hbm>> -> memref<128xi32, #tpu.memory_space<hbm>>
        tpu.wait_dma2 semaphore(%run_scoped3A : memref<!tpu.dma_semaphore, #tpu.memory_space<semaphore_mem>>) src(%dma_wait3A_39 : memref<128xi32, #tpu.memory_space<hbm>>) dst(%arg5 : memref<128xi32, #tpu.memory_space<vmem>>)
        tpu.yield
      }) : () -> ()
      %dma_start3A = arith.constant 0 : i32
      %dma_start3A_32 = arith.constant 0 : i32
      %dma_start3A_33 = tpu.memref_slice %arg7[%dma_start3A, %dma_start3A_32] : memref<10240x128xf32, #tpu.memory_space<vmem_shared>> -> memref<10240x128xf32, #tpu.memory_space<vmem_shared>>
      tpu.enqueue_indirect_dma source(%dma_start3A_33 : memref<10240x128xf32, #tpu.memory_space<vmem_shared>>) target(%arg6 : memref<128x128xf32, #tpu.memory_space<vmem>>) offsets(%arg5 : memref<128xi32, #tpu.memory_space<vmem>>) semaphore(%arg8 : memref<!tpu.dma_semaphore, #tpu.memory_space<semaphore_mem>>)
      %dma_wait3A = arith.constant 0 : i32
      %dma_wait3A_34 = arith.constant 0 : i32
      %dma_wait3A_35 = tpu.memref_slice %arg7[%dma_wait3A, %dma_wait3A_34] : memref<10240x128xf32, #tpu.memory_space<vmem_shared>> -> memref<10240x128xf32, #tpu.memory_space<vmem_shared>>
      tpu.wait_indirect_dma semaphore(%arg8 : memref<!tpu.dma_semaphore, #tpu.memory_space<semaphore_mem>>) src(%dma_wait3A_35 : memref<10240x128xf32, #tpu.memory_space<vmem_shared>>) dst(%arg6 : memref<128x128xf32, #tpu.memory_space<vmem>>)
      "tpu.region"() ({
        %run_scoped3A = tpu.sem_alloc : memref<!tpu.dma_semaphore, #tpu.memory_space<semaphore_mem>>
        %dma_start3A_36 = arith.constant 0 : i32
        %dma_start3A_37 = tpu.memref_slice %arg4[%add3A_31, %dma_start3A_36] : memref<327680x128xf32, #tpu.memory_space<hbm>> -> memref<128x128xf32, #tpu.memory_space<hbm>>
        %dma_start3A_38 = arith.constant 0 : i32
        %dma_start3A_39 = tpu.memref_slice %arg4[%add3A_31, %dma_start3A_38] : memref<327680x128xf32, #tpu.memory_space<hbm>> -> memref<128x128xf32, #tpu.memory_space<hbm>>
        tpu.enqueue_dma source(%arg6 : memref<128x128xf32, #tpu.memory_space<vmem>>) target(%dma_start3A_39 : memref<128x128xf32, #tpu.memory_space<hbm>>) target_semaphore(%run_scoped3A : memref<!tpu.dma_semaphore, #tpu.memory_space<semaphore_mem>>)
        %dma_wait3A_40 = arith.constant 0 : i32
        %dma_wait3A_41 = tpu.memref_slice %arg4[%add3A_31, %dma_wait3A_40] : memref<327680x128xf32, #tpu.memory_space<hbm>> -> memref<128x128xf32, #tpu.memory_space<hbm>>
        %dma_wait3A_42 = arith.constant 0 : i32
        %dma_wait3A_43 = tpu.memref_slice %arg4[%add3A_31, %dma_wait3A_42] : memref<327680x128xf32, #tpu.memory_space<hbm>> -> memref<128x128xf32, #tpu.memory_space<hbm>>
        tpu.wait_dma2 semaphore(%run_scoped3A : memref<!tpu.dma_semaphore, #tpu.memory_space<semaphore_mem>>) src(%arg6 : memref<128x128xf32, #tpu.memory_space<vmem>>) dst(%dma_wait3A_43 : memref<128x128xf32, #tpu.memory_space<hbm>>)
        tpu.yield
      }) : () -> ()
    }
    %scan3A_27 = arith.constant 80 : i32
    return
  }
}

#map = affine_map<(d0, d1) -> (0, 0)>
#map1 = affine_map<(d0, d1) -> (0)>
module attributes {stable_mosaic.version = 14 : i64} {
  func.func @_scatter_kernel(%arg0: i32, %arg1: i32, %arg2: memref<327680x128xf32, #tpu.memory_space<hbm>>, %arg3: memref<327680xi32, #tpu.memory_space<hbm>>, %arg4: memref<128x128xf32, #tpu.memory_space<hbm>>, %arg5: memref<20480x128xf32, #tpu.memory_space<hbm>>, %arg6: memref<128xi32, #tpu.memory_space<vmem>>, %arg7: memref<128x128xf32, #tpu.memory_space<vmem>>, %arg8: memref<10240x128xf32, #tpu.memory_space<vmem_shared>>) attributes {dimension_semantics = [#tpu.dimension_semantics<core_parallel>, #tpu.dimension_semantics<subcore_parallel>], iteration_bounds = array<i64: 2, 16>, scalar_prefetch = 0 : i64, scratch_operands = 3 : i64, tpu.core_type = #tpu.core_type<sc_vector_subcore>, window_params = [{transform_indices = #map}, {transform_indices = #map1}, {transform_indices = #map}, {transform_indices = #map}]} {
    %mul3A = arith.constant 2 : i32
    %mul3A_0 = arith.muli %arg1, %mul3A : i32
    %add3A = arith.addi %mul3A_0, %arg0 : i32
    %mul3A_1 = arith.constant 10240 : i32
    %mul3A_2 = arith.muli %add3A, %mul3A_1 : i32
    "tpu.region"() ({
      %run_scoped3A = tpu.sem_alloc : memref<!tpu.dma_semaphore, #tpu.memory_space<semaphore_mem>>
      %dma_start3A = arith.constant 0 : i32
      %dma_start3A_84 = arith.constant 0 : i32
      %dma_start3A_85 = tpu.memref_slice %arg4[%dma_start3A, %dma_start3A_84] : memref<128x128xf32, #tpu.memory_space<hbm>> -> memref<128x128xf32, #tpu.memory_space<hbm>>
      %dma_start3A_86 = arith.constant 0 : i32
      %dma_start3A_87 = arith.constant 0 : i32
      %dma_start3A_88 = tpu.memref_slice %arg4[%dma_start3A_86, %dma_start3A_87] : memref<128x128xf32, #tpu.memory_space<hbm>> -> memref<128x128xf32, #tpu.memory_space<hbm>>
      tpu.enqueue_dma source(%dma_start3A_88 : memref<128x128xf32, #tpu.memory_space<hbm>>) target(%arg7 : memref<128x128xf32, #tpu.memory_space<vmem>>) target_semaphore(%run_scoped3A : memref<!tpu.dma_semaphore, #tpu.memory_space<semaphore_mem>>)
      %dma_wait3A = arith.constant 0 : i32
      %dma_wait3A_89 = arith.constant 0 : i32
      %dma_wait3A_90 = tpu.memref_slice %arg4[%dma_wait3A, %dma_wait3A_89] : memref<128x128xf32, #tpu.memory_space<hbm>> -> memref<128x128xf32, #tpu.memory_space<hbm>>
      %dma_wait3A_91 = arith.constant 0 : i32
      %dma_wait3A_92 = arith.constant 0 : i32
      %dma_wait3A_93 = tpu.memref_slice %arg4[%dma_wait3A_91, %dma_wait3A_92] : memref<128x128xf32, #tpu.memory_space<hbm>> -> memref<128x128xf32, #tpu.memory_space<hbm>>
      tpu.wait_dma2 semaphore(%run_scoped3A : memref<!tpu.dma_semaphore, #tpu.memory_space<semaphore_mem>>) src(%dma_wait3A_93 : memref<128x128xf32, #tpu.memory_space<hbm>>) dst(%arg7 : memref<128x128xf32, #tpu.memory_space<vmem>>)
      tpu.yield
    }) : () -> ()
    %mul3A_3 = arith.constant 640 : i32
    %mul3A_4 = arith.muli %arg1, %mul3A_3 : i32
    %add3A_5 = arith.constant 0 : i32
    %add3A_6 = arith.addi %mul3A_4, %add3A_5 : i32
    "tpu.region"() ({
      %run_scoped3A = tpu.sem_alloc : memref<!tpu.dma_semaphore, #tpu.memory_space<semaphore_mem>>
      %dma_start3A = arith.constant 0 : i32
      %dma_start3A_84 = tpu.memref_slice %arg8[%add3A_6, %dma_start3A] : memref<10240x128xf32, #tpu.memory_space<vmem_shared>> -> memref<128x128xf32, #tpu.memory_space<vmem_shared>>
      %dma_start3A_85 = arith.constant 0 : i32
      %dma_start3A_86 = tpu.memref_slice %arg8[%add3A_6, %dma_start3A_85] : memref<10240x128xf32, #tpu.memory_space<vmem_shared>> -> memref<128x128xf32, #tpu.memory_space<vmem_shared>>
      tpu.enqueue_dma source(%arg7 : memref<128x128xf32, #tpu.memory_space<vmem>>) target(%dma_start3A_86 : memref<128x128xf32, #tpu.memory_space<vmem_shared>>) target_semaphore(%run_scoped3A : memref<!tpu.dma_semaphore, #tpu.memory_space<semaphore_mem>>)
      %dma_wait3A = arith.constant 0 : i32
      %dma_wait3A_87 = tpu.memref_slice %arg8[%add3A_6, %dma_wait3A] : memref<10240x128xf32, #tpu.memory_space<vmem_shared>> -> memref<128x128xf32, #tpu.memory_space<vmem_shared>>
      %dma_wait3A_88 = arith.constant 0 : i32
      %dma_wait3A_89 = tpu.memref_slice %arg8[%add3A_6, %dma_wait3A_88] : memref<10240x128xf32, #tpu.memory_space<vmem_shared>> -> memref<128x128xf32, #tpu.memory_space<vmem_shared>>
      tpu.wait_dma2 semaphore(%run_scoped3A : memref<!tpu.dma_semaphore, #tpu.memory_space<semaphore_mem>>) src(%arg7 : memref<128x128xf32, #tpu.memory_space<vmem>>) dst(%dma_wait3A_89 : memref<128x128xf32, #tpu.memory_space<vmem_shared>>)
      tpu.yield
    }) : () -> ()
    %mul3A_7 = arith.constant 640 : i32
    %mul3A_8 = arith.muli %arg1, %mul3A_7 : i32
    %add3A_9 = arith.constant 128 : i32
    %add3A_10 = arith.addi %mul3A_8, %add3A_9 : i32
    "tpu.region"() ({
      %run_scoped3A = tpu.sem_alloc : memref<!tpu.dma_semaphore, #tpu.memory_space<semaphore_mem>>
      %dma_start3A = arith.constant 0 : i32
      %dma_start3A_84 = tpu.memref_slice %arg8[%add3A_10, %dma_start3A] : memref<10240x128xf32, #tpu.memory_space<vmem_shared>> -> memref<128x128xf32, #tpu.memory_space<vmem_shared>>
      %dma_start3A_85 = arith.constant 0 : i32
      %dma_start3A_86 = tpu.memref_slice %arg8[%add3A_10, %dma_start3A_85] : memref<10240x128xf32, #tpu.memory_space<vmem_shared>> -> memref<128x128xf32, #tpu.memory_space<vmem_shared>>
      tpu.enqueue_dma source(%arg7 : memref<128x128xf32, #tpu.memory_space<vmem>>) target(%dma_start3A_86 : memref<128x128xf32, #tpu.memory_space<vmem_shared>>) target_semaphore(%run_scoped3A : memref<!tpu.dma_semaphore, #tpu.memory_space<semaphore_mem>>)
      %dma_wait3A = arith.constant 0 : i32
      %dma_wait3A_87 = tpu.memref_slice %arg8[%add3A_10, %dma_wait3A] : memref<10240x128xf32, #tpu.memory_space<vmem_shared>> -> memref<128x128xf32, #tpu.memory_space<vmem_shared>>
      %dma_wait3A_88 = arith.constant 0 : i32
      %dma_wait3A_89 = tpu.memref_slice %arg8[%add3A_10, %dma_wait3A_88] : memref<10240x128xf32, #tpu.memory_space<vmem_shared>> -> memref<128x128xf32, #tpu.memory_space<vmem_shared>>
      tpu.wait_dma2 semaphore(%run_scoped3A : memref<!tpu.dma_semaphore, #tpu.memory_space<semaphore_mem>>) src(%arg7 : memref<128x128xf32, #tpu.memory_space<vmem>>) dst(%dma_wait3A_89 : memref<128x128xf32, #tpu.memory_space<vmem_shared>>)
      tpu.yield
    }) : () -> ()
    %mul3A_11 = arith.constant 640 : i32
    %mul3A_12 = arith.muli %arg1, %mul3A_11 : i32
    %add3A_13 = arith.constant 256 : i32
    %add3A_14 = arith.addi %mul3A_12, %add3A_13 : i32
    "tpu.region"() ({
      %run_scoped3A = tpu.sem_alloc : memref<!tpu.dma_semaphore, #tpu.memory_space<semaphore_mem>>
      %dma_start3A = arith.constant 0 : i32
      %dma_start3A_84 = tpu.memref_slice %arg8[%add3A_14, %dma_start3A] : memref<10240x128xf32, #tpu.memory_space<vmem_shared>> -> memref<128x128xf32, #tpu.memory_space<vmem_shared>>
      %dma_start3A_85 = arith.constant 0 : i32
      %dma_start3A_86 = tpu.memref_slice %arg8[%add3A_14, %dma_start3A_85] : memref<10240x128xf32, #tpu.memory_space<vmem_shared>> -> memref<128x128xf32, #tpu.memory_space<vmem_shared>>
      tpu.enqueue_dma source(%arg7 : memref<128x128xf32, #tpu.memory_space<vmem>>) target(%dma_start3A_86 : memref<128x128xf32, #tpu.memory_space<vmem_shared>>) target_semaphore(%run_scoped3A : memref<!tpu.dma_semaphore, #tpu.memory_space<semaphore_mem>>)
      %dma_wait3A = arith.constant 0 : i32
      %dma_wait3A_87 = tpu.memref_slice %arg8[%add3A_14, %dma_wait3A] : memref<10240x128xf32, #tpu.memory_space<vmem_shared>> -> memref<128x128xf32, #tpu.memory_space<vmem_shared>>
      %dma_wait3A_88 = arith.constant 0 : i32
      %dma_wait3A_89 = tpu.memref_slice %arg8[%add3A_14, %dma_wait3A_88] : memref<10240x128xf32, #tpu.memory_space<vmem_shared>> -> memref<128x128xf32, #tpu.memory_space<vmem_shared>>
      tpu.wait_dma2 semaphore(%run_scoped3A : memref<!tpu.dma_semaphore, #tpu.memory_space<semaphore_mem>>) src(%arg7 : memref<128x128xf32, #tpu.memory_space<vmem>>) dst(%dma_wait3A_89 : memref<128x128xf32, #tpu.memory_space<vmem_shared>>)
      tpu.yield
    }) : () -> ()
    %mul3A_15 = arith.constant 640 : i32
    %mul3A_16 = arith.muli %arg1, %mul3A_15 : i32
    %add3A_17 = arith.constant 384 : i32
    %add3A_18 = arith.addi %mul3A_16, %add3A_17 : i32
    "tpu.region"() ({
      %run_scoped3A = tpu.sem_alloc : memref<!tpu.dma_semaphore, #tpu.memory_space<semaphore_mem>>
      %dma_start3A = arith.constant 0 : i32
      %dma_start3A_84 = tpu.memref_slice %arg8[%add3A_18, %dma_start3A] : memref<10240x128xf32, #tpu.memory_space<vmem_shared>> -> memref<128x128xf32, #tpu.memory_space<vmem_shared>>
      %dma_start3A_85 = arith.constant 0 : i32
      %dma_start3A_86 = tpu.memref_slice %arg8[%add3A_18, %dma_start3A_85] : memref<10240x128xf32, #tpu.memory_space<vmem_shared>> -> memref<128x128xf32, #tpu.memory_space<vmem_shared>>
      tpu.enqueue_dma source(%arg7 : memref<128x128xf32, #tpu.memory_space<vmem>>) target(%dma_start3A_86 : memref<128x128xf32, #tpu.memory_space<vmem_shared>>) target_semaphore(%run_scoped3A : memref<!tpu.dma_semaphore, #tpu.memory_space<semaphore_mem>>)
      %dma_wait3A = arith.constant 0 : i32
      %dma_wait3A_87 = tpu.memref_slice %arg8[%add3A_18, %dma_wait3A] : memref<10240x128xf32, #tpu.memory_space<vmem_shared>> -> memref<128x128xf32, #tpu.memory_space<vmem_shared>>
      %dma_wait3A_88 = arith.constant 0 : i32
      %dma_wait3A_89 = tpu.memref_slice %arg8[%add3A_18, %dma_wait3A_88] : memref<10240x128xf32, #tpu.memory_space<vmem_shared>> -> memref<128x128xf32, #tpu.memory_space<vmem_shared>>
      tpu.wait_dma2 semaphore(%run_scoped3A : memref<!tpu.dma_semaphore, #tpu.memory_space<semaphore_mem>>) src(%arg7 : memref<128x128xf32, #tpu.memory_space<vmem>>) dst(%dma_wait3A_89 : memref<128x128xf32, #tpu.memory_space<vmem_shared>>)
      tpu.yield
    }) : () -> ()
    %mul3A_19 = arith.constant 640 : i32
    %mul3A_20 = arith.muli %arg1, %mul3A_19 : i32
    %add3A_21 = arith.constant 512 : i32
    %add3A_22 = arith.addi %mul3A_20, %add3A_21 : i32
    "tpu.region"() ({
      %run_scoped3A = tpu.sem_alloc : memref<!tpu.dma_semaphore, #tpu.memory_space<semaphore_mem>>
      %dma_start3A = arith.constant 0 : i32
      %dma_start3A_84 = tpu.memref_slice %arg8[%add3A_22, %dma_start3A] : memref<10240x128xf32, #tpu.memory_space<vmem_shared>> -> memref<128x128xf32, #tpu.memory_space<vmem_shared>>
      %dma_start3A_85 = arith.constant 0 : i32
      %dma_start3A_86 = tpu.memref_slice %arg8[%add3A_22, %dma_start3A_85] : memref<10240x128xf32, #tpu.memory_space<vmem_shared>> -> memref<128x128xf32, #tpu.memory_space<vmem_shared>>
      tpu.enqueue_dma source(%arg7 : memref<128x128xf32, #tpu.memory_space<vmem>>) target(%dma_start3A_86 : memref<128x128xf32, #tpu.memory_space<vmem_shared>>) target_semaphore(%run_scoped3A : memref<!tpu.dma_semaphore, #tpu.memory_space<semaphore_mem>>)
      %dma_wait3A = arith.constant 0 : i32
      %dma_wait3A_87 = tpu.memref_slice %arg8[%add3A_22, %dma_wait3A] : memref<10240x128xf32, #tpu.memory_space<vmem_shared>> -> memref<128x128xf32, #tpu.memory_space<vmem_shared>>
      %dma_wait3A_88 = arith.constant 0 : i32
      %dma_wait3A_89 = tpu.memref_slice %arg8[%add3A_22, %dma_wait3A_88] : memref<10240x128xf32, #tpu.memory_space<vmem_shared>> -> memref<128x128xf32, #tpu.memory_space<vmem_shared>>
      tpu.wait_dma2 semaphore(%run_scoped3A : memref<!tpu.dma_semaphore, #tpu.memory_space<semaphore_mem>>) src(%arg7 : memref<128x128xf32, #tpu.memory_space<vmem>>) dst(%dma_wait3A_89 : memref<128x128xf32, #tpu.memory_space<vmem_shared>>)
      tpu.yield
    }) : () -> ()
    %barrier3A = arith.constant 0 : index
    tpu.barrier barrier_id(%barrier3A)
    %scan3A = arith.constant 0 : i32
    %scan3A_23 = arith.constant 0 : i32
    %scan3A_24 = arith.constant 80 : i32
    %scan3A_25 = arith.addi %scan3A_23, %scan3A_24 : i32
    %scan3A_26 = arith.constant 1 : i32
    scf.for %scan3A_84 = %scan3A_23 to %scan3A_25 step %scan3A_26  : i32 {
      %mul3A_85 = arith.constant 128 : i32
      %mul3A_86 = arith.muli %scan3A_84, %mul3A_85 : i32
      %add3A_87 = arith.addi %mul3A_2, %mul3A_86 : i32
      "tpu.region"() ({
        %run_scoped3A = tpu.sem_alloc : memref<!tpu.dma_semaphore, #tpu.memory_space<semaphore_mem>>
        %dma_start3A = tpu.memref_slice %arg3[%add3A_87] : memref<327680xi32, #tpu.memory_space<hbm>> -> memref<128xi32, #tpu.memory_space<hbm>>
        %dma_start3A_88 = tpu.memref_slice %arg3[%add3A_87] : memref<327680xi32, #tpu.memory_space<hbm>> -> memref<128xi32, #tpu.memory_space<hbm>>
        tpu.enqueue_dma source(%dma_start3A_88 : memref<128xi32, #tpu.memory_space<hbm>>) target(%arg6 : memref<128xi32, #tpu.memory_space<vmem>>) target_semaphore(%run_scoped3A : memref<!tpu.dma_semaphore, #tpu.memory_space<semaphore_mem>>)
        %dma_wait3A = tpu.memref_slice %arg3[%add3A_87] : memref<327680xi32, #tpu.memory_space<hbm>> -> memref<128xi32, #tpu.memory_space<hbm>>
        %dma_wait3A_89 = tpu.memref_slice %arg3[%add3A_87] : memref<327680xi32, #tpu.memory_space<hbm>> -> memref<128xi32, #tpu.memory_space<hbm>>
        tpu.wait_dma2 semaphore(%run_scoped3A : memref<!tpu.dma_semaphore, #tpu.memory_space<semaphore_mem>>) src(%dma_wait3A_89 : memref<128xi32, #tpu.memory_space<hbm>>) dst(%arg6 : memref<128xi32, #tpu.memory_space<vmem>>)
        tpu.yield
      }) : () -> ()
      "tpu.region"() ({
        %run_scoped3A = tpu.sem_alloc : memref<!tpu.dma_semaphore, #tpu.memory_space<semaphore_mem>>
        %dma_start3A = arith.constant 0 : i32
        %dma_start3A_88 = tpu.memref_slice %arg2[%add3A_87, %dma_start3A] : memref<327680x128xf32, #tpu.memory_space<hbm>> -> memref<128x128xf32, #tpu.memory_space<hbm>>
        %dma_start3A_89 = arith.constant 0 : i32
        %dma_start3A_90 = tpu.memref_slice %arg2[%add3A_87, %dma_start3A_89] : memref<327680x128xf32, #tpu.memory_space<hbm>> -> memref<128x128xf32, #tpu.memory_space<hbm>>
        tpu.enqueue_dma source(%dma_start3A_90 : memref<128x128xf32, #tpu.memory_space<hbm>>) target(%arg7 : memref<128x128xf32, #tpu.memory_space<vmem>>) target_semaphore(%run_scoped3A : memref<!tpu.dma_semaphore, #tpu.memory_space<semaphore_mem>>)
        %dma_wait3A = arith.constant 0 : i32
        %dma_wait3A_91 = tpu.memref_slice %arg2[%add3A_87, %dma_wait3A] : memref<327680x128xf32, #tpu.memory_space<hbm>> -> memref<128x128xf32, #tpu.memory_space<hbm>>
        %dma_wait3A_92 = arith.constant 0 : i32
        %dma_wait3A_93 = tpu.memref_slice %arg2[%add3A_87, %dma_wait3A_92] : memref<327680x128xf32, #tpu.memory_space<hbm>> -> memref<128x128xf32, #tpu.memory_space<hbm>>
        tpu.wait_dma2 semaphore(%run_scoped3A : memref<!tpu.dma_semaphore, #tpu.memory_space<semaphore_mem>>) src(%dma_wait3A_93 : memref<128x128xf32, #tpu.memory_space<hbm>>) dst(%arg7 : memref<128x128xf32, #tpu.memory_space<vmem>>)
        tpu.yield
      }) : () -> ()
      "tpu.region"() ({
        %run_scoped3A = tpu.sem_alloc : memref<!tpu.dma_semaphore, #tpu.memory_space<semaphore_mem>>
        %dma_start3A = arith.constant 0 : i32
        %dma_start3A_88 = arith.constant 0 : i32
        %dma_start3A_89 = tpu.memref_slice %arg8[%dma_start3A, %dma_start3A_88] : memref<10240x128xf32, #tpu.memory_space<vmem_shared>> -> memref<10240x128xf32, #tpu.memory_space<vmem_shared>>
        tpu.enqueue_indirect_dma source(%arg7 : memref<128x128xf32, #tpu.memory_space<vmem>>) target(%dma_start3A_89 : memref<10240x128xf32, #tpu.memory_space<vmem_shared>>) offsets(%arg6 : memref<128xi32, #tpu.memory_space<vmem>>) semaphore(%run_scoped3A : memref<!tpu.dma_semaphore, #tpu.memory_space<semaphore_mem>>) {add = true}
        %dma_wait3A = arith.constant 0 : i32
        %dma_wait3A_90 = arith.constant 0 : i32
        %dma_wait3A_91 = tpu.memref_slice %arg8[%dma_wait3A, %dma_wait3A_90] : memref<10240x128xf32, #tpu.memory_space<vmem_shared>> -> memref<10240x128xf32, #tpu.memory_space<vmem_shared>>
        tpu.wait_indirect_dma semaphore(%run_scoped3A : memref<!tpu.dma_semaphore, #tpu.memory_space<semaphore_mem>>) src(%arg7 : memref<128x128xf32, #tpu.memory_space<vmem>>) dst(%dma_wait3A_91 : memref<10240x128xf32, #tpu.memory_space<vmem_shared>>)
        tpu.yield
      }) : () -> ()
    }
    %scan3A_27 = arith.constant 80 : i32
    %barrier3A_28 = arith.constant 0 : index
    tpu.barrier barrier_id(%barrier3A_28)
    %mul3A_29 = arith.constant 640 : i32
    %mul3A_30 = arith.muli %arg1, %mul3A_29 : i32
    %add3A_31 = arith.constant 0 : i32
    %add3A_32 = arith.addi %mul3A_30, %add3A_31 : i32
    "tpu.region"() ({
      %run_scoped3A = tpu.sem_alloc : memref<!tpu.dma_semaphore, #tpu.memory_space<semaphore_mem>>
      %dma_start3A = arith.constant 0 : i32
      %dma_start3A_84 = tpu.memref_slice %arg8[%add3A_32, %dma_start3A] : memref<10240x128xf32, #tpu.memory_space<vmem_shared>> -> memref<128x128xf32, #tpu.memory_space<vmem_shared>>
      %dma_start3A_85 = arith.constant 0 : i32
      %dma_start3A_86 = tpu.memref_slice %arg8[%add3A_32, %dma_start3A_85] : memref<10240x128xf32, #tpu.memory_space<vmem_shared>> -> memref<128x128xf32, #tpu.memory_space<vmem_shared>>
      tpu.enqueue_dma source(%dma_start3A_86 : memref<128x128xf32, #tpu.memory_space<vmem_shared>>) target(%arg7 : memref<128x128xf32, #tpu.memory_space<vmem>>) target_semaphore(%run_scoped3A : memref<!tpu.dma_semaphore, #tpu.memory_space<semaphore_mem>>)
      %dma_wait3A = arith.constant 0 : i32
      %dma_wait3A_87 = tpu.memref_slice %arg8[%add3A_32, %dma_wait3A] : memref<10240x128xf32, #tpu.memory_space<vmem_shared>> -> memref<128x128xf32, #tpu.memory_space<vmem_shared>>
      %dma_wait3A_88 = arith.constant 0 : i32
      %dma_wait3A_89 = tpu.memref_slice %arg8[%add3A_32, %dma_wait3A_88] : memref<10240x128xf32, #tpu.memory_space<vmem_shared>> -> memref<128x128xf32, #tpu.memory_space<vmem_shared>>
      tpu.wait_dma2 semaphore(%run_scoped3A : memref<!tpu.dma_semaphore, #tpu.memory_space<semaphore_mem>>) src(%dma_wait3A_89 : memref<128x128xf32, #tpu.memory_space<vmem_shared>>) dst(%arg7 : memref<128x128xf32, #tpu.memory_space<vmem>>)
      tpu.yield
    }) : () -> ()
    %mul3A_33 = arith.constant 10240 : i32
    %mul3A_34 = arith.muli %arg0, %mul3A_33 : i32
    %mul3A_35 = arith.constant 640 : i32
    %mul3A_36 = arith.muli %arg1, %mul3A_35 : i32
    %add3A_37 = arith.addi %mul3A_34, %mul3A_36 : i32
    %add3A_38 = arith.constant 0 : i32
    %add3A_39 = arith.addi %add3A_37, %add3A_38 : i32
    "tpu.region"() ({
      %run_scoped3A = tpu.sem_alloc : memref<!tpu.dma_semaphore, #tpu.memory_space<semaphore_mem>>
      %dma_start3A = arith.constant 0 : i32
      %dma_start3A_84 = tpu.memref_slice %arg5[%add3A_39, %dma_start3A] : memref<20480x128xf32, #tpu.memory_space<hbm>> -> memref<128x128xf32, #tpu.memory_space<hbm>>
      %dma_start3A_85 = arith.constant 0 : i32
      %dma_start3A_86 = tpu.memref_slice %arg5[%add3A_39, %dma_start3A_85] : memref<20480x128xf32, #tpu.memory_space<hbm>> -> memref<128x128xf32, #tpu.memory_space<hbm>>
      tpu.enqueue_dma source(%arg7 : memref<128x128xf32, #tpu.memory_space<vmem>>) target(%dma_start3A_86 : memref<128x128xf32, #tpu.memory_space<hbm>>) target_semaphore(%run_scoped3A : memref<!tpu.dma_semaphore, #tpu.memory_space<semaphore_mem>>)
      %dma_wait3A = arith.constant 0 : i32
      %dma_wait3A_87 = tpu.memref_slice %arg5[%add3A_39, %dma_wait3A] : memref<20480x128xf32, #tpu.memory_space<hbm>> -> memref<128x128xf32, #tpu.memory_space<hbm>>
      %dma_wait3A_88 = arith.constant 0 : i32
      %dma_wait3A_89 = tpu.memref_slice %arg5[%add3A_39, %dma_wait3A_88] : memref<20480x128xf32, #tpu.memory_space<hbm>> -> memref<128x128xf32, #tpu.memory_space<hbm>>
      tpu.wait_dma2 semaphore(%run_scoped3A : memref<!tpu.dma_semaphore, #tpu.memory_space<semaphore_mem>>) src(%arg7 : memref<128x128xf32, #tpu.memory_space<vmem>>) dst(%dma_wait3A_89 : memref<128x128xf32, #tpu.memory_space<hbm>>)
      tpu.yield
    }) : () -> ()
    %mul3A_40 = arith.constant 640 : i32
    %mul3A_41 = arith.muli %arg1, %mul3A_40 : i32
    %add3A_42 = arith.constant 128 : i32
    %add3A_43 = arith.addi %mul3A_41, %add3A_42 : i32
    "tpu.region"() ({
      %run_scoped3A = tpu.sem_alloc : memref<!tpu.dma_semaphore, #tpu.memory_space<semaphore_mem>>
      %dma_start3A = arith.constant 0 : i32
      %dma_start3A_84 = tpu.memref_slice %arg8[%add3A_43, %dma_start3A] : memref<10240x128xf32, #tpu.memory_space<vmem_shared>> -> memref<128x128xf32, #tpu.memory_space<vmem_shared>>
      %dma_start3A_85 = arith.constant 0 : i32
      %dma_start3A_86 = tpu.memref_slice %arg8[%add3A_43, %dma_start3A_85] : memref<10240x128xf32, #tpu.memory_space<vmem_shared>> -> memref<128x128xf32, #tpu.memory_space<vmem_shared>>
      tpu.enqueue_dma source(%dma_start3A_86 : memref<128x128xf32, #tpu.memory_space<vmem_shared>>) target(%arg7 : memref<128x128xf32, #tpu.memory_space<vmem>>) target_semaphore(%run_scoped3A : memref<!tpu.dma_semaphore, #tpu.memory_space<semaphore_mem>>)
      %dma_wait3A = arith.constant 0 : i32
      %dma_wait3A_87 = tpu.memref_slice %arg8[%add3A_43, %dma_wait3A] : memref<10240x128xf32, #tpu.memory_space<vmem_shared>> -> memref<128x128xf32, #tpu.memory_space<vmem_shared>>
      %dma_wait3A_88 = arith.constant 0 : i32
      %dma_wait3A_89 = tpu.memref_slice %arg8[%add3A_43, %dma_wait3A_88] : memref<10240x128xf32, #tpu.memory_space<vmem_shared>> -> memref<128x128xf32, #tpu.memory_space<vmem_shared>>
      tpu.wait_dma2 semaphore(%run_scoped3A : memref<!tpu.dma_semaphore, #tpu.memory_space<semaphore_mem>>) src(%dma_wait3A_89 : memref<128x128xf32, #tpu.memory_space<vmem_shared>>) dst(%arg7 : memref<128x128xf32, #tpu.memory_space<vmem>>)
      tpu.yield
    }) : () -> ()
    %mul3A_44 = arith.constant 10240 : i32
    %mul3A_45 = arith.muli %arg0, %mul3A_44 : i32
    %mul3A_46 = arith.constant 640 : i32
    %mul3A_47 = arith.muli %arg1, %mul3A_46 : i32
    %add3A_48 = arith.addi %mul3A_45, %mul3A_47 : i32
    %add3A_49 = arith.constant 128 : i32
    %add3A_50 = arith.addi %add3A_48, %add3A_49 : i32
    "tpu.region"() ({
      %run_scoped3A = tpu.sem_alloc : memref<!tpu.dma_semaphore, #tpu.memory_space<semaphore_mem>>
      %dma_start3A = arith.constant 0 : i32
      %dma_start3A_84 = tpu.memref_slice %arg5[%add3A_50, %dma_start3A] : memref<20480x128xf32, #tpu.memory_space<hbm>> -> memref<128x128xf32, #tpu.memory_space<hbm>>
      %dma_start3A_85 = arith.constant 0 : i32
      %dma_start3A_86 = tpu.memref_slice %arg5[%add3A_50, %dma_start3A_85] : memref<20480x128xf32, #tpu.memory_space<hbm>> -> memref<128x128xf32, #tpu.memory_space<hbm>>
      tpu.enqueue_dma source(%arg7 : memref<128x128xf32, #tpu.memory_space<vmem>>) target(%dma_start3A_86 : memref<128x128xf32, #tpu.memory_space<hbm>>) target_semaphore(%run_scoped3A : memref<!tpu.dma_semaphore, #tpu.memory_space<semaphore_mem>>)
      %dma_wait3A = arith.constant 0 : i32
      %dma_wait3A_87 = tpu.memref_slice %arg5[%add3A_50, %dma_wait3A] : memref<20480x128xf32, #tpu.memory_space<hbm>> -> memref<128x128xf32, #tpu.memory_space<hbm>>
      %dma_wait3A_88 = arith.constant 0 : i32
      %dma_wait3A_89 = tpu.memref_slice %arg5[%add3A_50, %dma_wait3A_88] : memref<20480x128xf32, #tpu.memory_space<hbm>> -> memref<128x128xf32, #tpu.memory_space<hbm>>
      tpu.wait_dma2 semaphore(%run_scoped3A : memref<!tpu.dma_semaphore, #tpu.memory_space<semaphore_mem>>) src(%arg7 : memref<128x128xf32, #tpu.memory_space<vmem>>) dst(%dma_wait3A_89 : memref<128x128xf32, #tpu.memory_space<hbm>>)
      tpu.yield
    }) : () -> ()
    %mul3A_51 = arith.constant 640 : i32
    %mul3A_52 = arith.muli %arg1, %mul3A_51 : i32
    %add3A_53 = arith.constant 256 : i32
    %add3A_54 = arith.addi %mul3A_52, %add3A_53 : i32
    "tpu.region"() ({
      %run_scoped3A = tpu.sem_alloc : memref<!tpu.dma_semaphore, #tpu.memory_space<semaphore_mem>>
      %dma_start3A = arith.constant 0 : i32
      %dma_start3A_84 = tpu.memref_slice %arg8[%add3A_54, %dma_start3A] : memref<10240x128xf32, #tpu.memory_space<vmem_shared>> -> memref<128x128xf32, #tpu.memory_space<vmem_shared>>
      %dma_start3A_85 = arith.constant 0 : i32
      %dma_start3A_86 = tpu.memref_slice %arg8[%add3A_54, %dma_start3A_85] : memref<10240x128xf32, #tpu.memory_space<vmem_shared>> -> memref<128x128xf32, #tpu.memory_space<vmem_shared>>
      tpu.enqueue_dma source(%dma_start3A_86 : memref<128x128xf32, #tpu.memory_space<vmem_shared>>) target(%arg7 : memref<128x128xf32, #tpu.memory_space<vmem>>) target_semaphore(%run_scoped3A : memref<!tpu.dma_semaphore, #tpu.memory_space<semaphore_mem>>)
      %dma_wait3A = arith.constant 0 : i32
      %dma_wait3A_87 = tpu.memref_slice %arg8[%add3A_54, %dma_wait3A] : memref<10240x128xf32, #tpu.memory_space<vmem_shared>> -> memref<128x128xf32, #tpu.memory_space<vmem_shared>>
      %dma_wait3A_88 = arith.constant 0 : i32
      %dma_wait3A_89 = tpu.memref_slice %arg8[%add3A_54, %dma_wait3A_88] : memref<10240x128xf32, #tpu.memory_space<vmem_shared>> -> memref<128x128xf32, #tpu.memory_space<vmem_shared>>
      tpu.wait_dma2 semaphore(%run_scoped3A : memref<!tpu.dma_semaphore, #tpu.memory_space<semaphore_mem>>) src(%dma_wait3A_89 : memref<128x128xf32, #tpu.memory_space<vmem_shared>>) dst(%arg7 : memref<128x128xf32, #tpu.memory_space<vmem>>)
      tpu.yield
    }) : () -> ()
    %mul3A_55 = arith.constant 10240 : i32
    %mul3A_56 = arith.muli %arg0, %mul3A_55 : i32
    %mul3A_57 = arith.constant 640 : i32
    %mul3A_58 = arith.muli %arg1, %mul3A_57 : i32
    %add3A_59 = arith.addi %mul3A_56, %mul3A_58 : i32
    %add3A_60 = arith.constant 256 : i32
    %add3A_61 = arith.addi %add3A_59, %add3A_60 : i32
    "tpu.region"() ({
      %run_scoped3A = tpu.sem_alloc : memref<!tpu.dma_semaphore, #tpu.memory_space<semaphore_mem>>
      %dma_start3A = arith.constant 0 : i32
      %dma_start3A_84 = tpu.memref_slice %arg5[%add3A_61, %dma_start3A] : memref<20480x128xf32, #tpu.memory_space<hbm>> -> memref<128x128xf32, #tpu.memory_space<hbm>>
      %dma_start3A_85 = arith.constant 0 : i32
      %dma_start3A_86 = tpu.memref_slice %arg5[%add3A_61, %dma_start3A_85] : memref<20480x128xf32, #tpu.memory_space<hbm>> -> memref<128x128xf32, #tpu.memory_space<hbm>>
      tpu.enqueue_dma source(%arg7 : memref<128x128xf32, #tpu.memory_space<vmem>>) target(%dma_start3A_86 : memref<128x128xf32, #tpu.memory_space<hbm>>) target_semaphore(%run_scoped3A : memref<!tpu.dma_semaphore, #tpu.memory_space<semaphore_mem>>)
      %dma_wait3A = arith.constant 0 : i32
      %dma_wait3A_87 = tpu.memref_slice %arg5[%add3A_61, %dma_wait3A] : memref<20480x128xf32, #tpu.memory_space<hbm>> -> memref<128x128xf32, #tpu.memory_space<hbm>>
      %dma_wait3A_88 = arith.constant 0 : i32
      %dma_wait3A_89 = tpu.memref_slice %arg5[%add3A_61, %dma_wait3A_88] : memref<20480x128xf32, #tpu.memory_space<hbm>> -> memref<128x128xf32, #tpu.memory_space<hbm>>
      tpu.wait_dma2 semaphore(%run_scoped3A : memref<!tpu.dma_semaphore, #tpu.memory_space<semaphore_mem>>) src(%arg7 : memref<128x128xf32, #tpu.memory_space<vmem>>) dst(%dma_wait3A_89 : memref<128x128xf32, #tpu.memory_space<hbm>>)
      tpu.yield
    }) : () -> ()
    %mul3A_62 = arith.constant 640 : i32
    %mul3A_63 = arith.muli %arg1, %mul3A_62 : i32
    %add3A_64 = arith.constant 384 : i32
    %add3A_65 = arith.addi %mul3A_63, %add3A_64 : i32
    "tpu.region"() ({
      %run_scoped3A = tpu.sem_alloc : memref<!tpu.dma_semaphore, #tpu.memory_space<semaphore_mem>>
      %dma_start3A = arith.constant 0 : i32
      %dma_start3A_84 = tpu.memref_slice %arg8[%add3A_65, %dma_start3A] : memref<10240x128xf32, #tpu.memory_space<vmem_shared>> -> memref<128x128xf32, #tpu.memory_space<vmem_shared>>
      %dma_start3A_85 = arith.constant 0 : i32
      %dma_start3A_86 = tpu.memref_slice %arg8[%add3A_65, %dma_start3A_85] : memref<10240x128xf32, #tpu.memory_space<vmem_shared>> -> memref<128x128xf32, #tpu.memory_space<vmem_shared>>
      tpu.enqueue_dma source(%dma_start3A_86 : memref<128x128xf32, #tpu.memory_space<vmem_shared>>) target(%arg7 : memref<128x128xf32, #tpu.memory_space<vmem>>) target_semaphore(%run_scoped3A : memref<!tpu.dma_semaphore, #tpu.memory_space<semaphore_mem>>)
      %dma_wait3A = arith.constant 0 : i32
      %dma_wait3A_87 = tpu.memref_slice %arg8[%add3A_65, %dma_wait3A] : memref<10240x128xf32, #tpu.memory_space<vmem_shared>> -> memref<128x128xf32, #tpu.memory_space<vmem_shared>>
      %dma_wait3A_88 = arith.constant 0 : i32
      %dma_wait3A_89 = tpu.memref_slice %arg8[%add3A_65, %dma_wait3A_88] : memref<10240x128xf32, #tpu.memory_space<vmem_shared>> -> memref<128x128xf32, #tpu.memory_space<vmem_shared>>
      tpu.wait_dma2 semaphore(%run_scoped3A : memref<!tpu.dma_semaphore, #tpu.memory_space<semaphore_mem>>) src(%dma_wait3A_89 : memref<128x128xf32, #tpu.memory_space<vmem_shared>>) dst(%arg7 : memref<128x128xf32, #tpu.memory_space<vmem>>)
      tpu.yield
    }) : () -> ()
    %mul3A_66 = arith.constant 10240 : i32
    %mul3A_67 = arith.muli %arg0, %mul3A_66 : i32
    %mul3A_68 = arith.constant 640 : i32
    %mul3A_69 = arith.muli %arg1, %mul3A_68 : i32
    %add3A_70 = arith.addi %mul3A_67, %mul3A_69 : i32
    %add3A_71 = arith.constant 384 : i32
    %add3A_72 = arith.addi %add3A_70, %add3A_71 : i32
    "tpu.region"() ({
      %run_scoped3A = tpu.sem_alloc : memref<!tpu.dma_semaphore, #tpu.memory_space<semaphore_mem>>
      %dma_start3A = arith.constant 0 : i32
      %dma_start3A_84 = tpu.memref_slice %arg5[%add3A_72, %dma_start3A] : memref<20480x128xf32, #tpu.memory_space<hbm>> -> memref<128x128xf32, #tpu.memory_space<hbm>>
      %dma_start3A_85 = arith.constant 0 : i32
      %dma_start3A_86 = tpu.memref_slice %arg5[%add3A_72, %dma_start3A_85] : memref<20480x128xf32, #tpu.memory_space<hbm>> -> memref<128x128xf32, #tpu.memory_space<hbm>>
      tpu.enqueue_dma source(%arg7 : memref<128x128xf32, #tpu.memory_space<vmem>>) target(%dma_start3A_86 : memref<128x128xf32, #tpu.memory_space<hbm>>) target_semaphore(%run_scoped3A : memref<!tpu.dma_semaphore, #tpu.memory_space<semaphore_mem>>)
      %dma_wait3A = arith.constant 0 : i32
      %dma_wait3A_87 = tpu.memref_slice %arg5[%add3A_72, %dma_wait3A] : memref<20480x128xf32, #tpu.memory_space<hbm>> -> memref<128x128xf32, #tpu.memory_space<hbm>>
      %dma_wait3A_88 = arith.constant 0 : i32
      %dma_wait3A_89 = tpu.memref_slice %arg5[%add3A_72, %dma_wait3A_88] : memref<20480x128xf32, #tpu.memory_space<hbm>> -> memref<128x128xf32, #tpu.memory_space<hbm>>
      tpu.wait_dma2 semaphore(%run_scoped3A : memref<!tpu.dma_semaphore, #tpu.memory_space<semaphore_mem>>) src(%arg7 : memref<128x128xf32, #tpu.memory_space<vmem>>) dst(%dma_wait3A_89 : memref<128x128xf32, #tpu.memory_space<hbm>>)
      tpu.yield
    }) : () -> ()
    %mul3A_73 = arith.constant 640 : i32
    %mul3A_74 = arith.muli %arg1, %mul3A_73 : i32
    %add3A_75 = arith.constant 512 : i32
    %add3A_76 = arith.addi %mul3A_74, %add3A_75 : i32
    "tpu.region"() ({
      %run_scoped3A = tpu.sem_alloc : memref<!tpu.dma_semaphore, #tpu.memory_space<semaphore_mem>>
      %dma_start3A = arith.constant 0 : i32
      %dma_start3A_84 = tpu.memref_slice %arg8[%add3A_76, %dma_start3A] : memref<10240x128xf32, #tpu.memory_space<vmem_shared>> -> memref<128x128xf32, #tpu.memory_space<vmem_shared>>
      %dma_start3A_85 = arith.constant 0 : i32
      %dma_start3A_86 = tpu.memref_slice %arg8[%add3A_76, %dma_start3A_85] : memref<10240x128xf32, #tpu.memory_space<vmem_shared>> -> memref<128x128xf32, #tpu.memory_space<vmem_shared>>
      tpu.enqueue_dma source(%dma_start3A_86 : memref<128x128xf32, #tpu.memory_space<vmem_shared>>) target(%arg7 : memref<128x128xf32, #tpu.memory_space<vmem>>) target_semaphore(%run_scoped3A : memref<!tpu.dma_semaphore, #tpu.memory_space<semaphore_mem>>)
      %dma_wait3A = arith.constant 0 : i32
      %dma_wait3A_87 = tpu.memref_slice %arg8[%add3A_76, %dma_wait3A] : memref<10240x128xf32, #tpu.memory_space<vmem_shared>> -> memref<128x128xf32, #tpu.memory_space<vmem_shared>>
      %dma_wait3A_88 = arith.constant 0 : i32
      %dma_wait3A_89 = tpu.memref_slice %arg8[%add3A_76, %dma_wait3A_88] : memref<10240x128xf32, #tpu.memory_space<vmem_shared>> -> memref<128x128xf32, #tpu.memory_space<vmem_shared>>
      tpu.wait_dma2 semaphore(%run_scoped3A : memref<!tpu.dma_semaphore, #tpu.memory_space<semaphore_mem>>) src(%dma_wait3A_89 : memref<128x128xf32, #tpu.memory_space<vmem_shared>>) dst(%arg7 : memref<128x128xf32, #tpu.memory_space<vmem>>)
      tpu.yield
    }) : () -> ()
    %mul3A_77 = arith.constant 10240 : i32
    %mul3A_78 = arith.muli %arg0, %mul3A_77 : i32
    %mul3A_79 = arith.constant 640 : i32
    %mul3A_80 = arith.muli %arg1, %mul3A_79 : i32
    %add3A_81 = arith.addi %mul3A_78, %mul3A_80 : i32
    %add3A_82 = arith.constant 512 : i32
    %add3A_83 = arith.addi %add3A_81, %add3A_82 : i32
    "tpu.region"() ({
      %run_scoped3A = tpu.sem_alloc : memref<!tpu.dma_semaphore, #tpu.memory_space<semaphore_mem>>
      %dma_start3A = arith.constant 0 : i32
      %dma_start3A_84 = tpu.memref_slice %arg5[%add3A_83, %dma_start3A] : memref<20480x128xf32, #tpu.memory_space<hbm>> -> memref<128x128xf32, #tpu.memory_space<hbm>>
      %dma_start3A_85 = arith.constant 0 : i32
      %dma_start3A_86 = tpu.memref_slice %arg5[%add3A_83, %dma_start3A_85] : memref<20480x128xf32, #tpu.memory_space<hbm>> -> memref<128x128xf32, #tpu.memory_space<hbm>>
      tpu.enqueue_dma source(%arg7 : memref<128x128xf32, #tpu.memory_space<vmem>>) target(%dma_start3A_86 : memref<128x128xf32, #tpu.memory_space<hbm>>) target_semaphore(%run_scoped3A : memref<!tpu.dma_semaphore, #tpu.memory_space<semaphore_mem>>)
      %dma_wait3A = arith.constant 0 : i32
      %dma_wait3A_87 = tpu.memref_slice %arg5[%add3A_83, %dma_wait3A] : memref<20480x128xf32, #tpu.memory_space<hbm>> -> memref<128x128xf32, #tpu.memory_space<hbm>>
      %dma_wait3A_88 = arith.constant 0 : i32
      %dma_wait3A_89 = tpu.memref_slice %arg5[%add3A_83, %dma_wait3A_88] : memref<20480x128xf32, #tpu.memory_space<hbm>> -> memref<128x128xf32, #tpu.memory_space<hbm>>
      tpu.wait_dma2 semaphore(%run_scoped3A : memref<!tpu.dma_semaphore, #tpu.memory_space<semaphore_mem>>) src(%arg7 : memref<128x128xf32, #tpu.memory_space<vmem>>) dst(%dma_wait3A_89 : memref<128x128xf32, #tpu.memory_space<hbm>>)
      tpu.yield
    }) : () -> ()
    return
  }
}

#map = affine_map<(d0, d1) -> (0, 0)>
#map1 = affine_map<(d0, d1) -> (0)>
module attributes {stable_mosaic.version = 14 : i64} {
  func.func @_scatter_kernel(%arg0: i32, %arg1: i32, %arg2: memref<327680x128xf32, #tpu.memory_space<hbm>>, %arg3: memref<327680xi32, #tpu.memory_space<hbm>>, %arg4: memref<128x128xf32, #tpu.memory_space<hbm>>, %arg5: memref<20480x128xf32, #tpu.memory_space<hbm>>, %arg6: memref<128xi32, #tpu.memory_space<vmem>>, %arg7: memref<128x128xf32, #tpu.memory_space<vmem>>, %arg8: memref<10240x128xf32, #tpu.memory_space<vmem_shared>>) attributes {dimension_semantics = [#tpu.dimension_semantics<core_parallel>, #tpu.dimension_semantics<subcore_parallel>], iteration_bounds = array<i64: 2, 16>, scalar_prefetch = 0 : i64, scratch_operands = 3 : i64, tpu.core_type = #tpu.core_type<sc_vector_subcore>, window_params = [{transform_indices = #map}, {transform_indices = #map1}, {transform_indices = #map}, {transform_indices = #map}]} {
    %mul3A = arith.constant 2 : i32
    %mul3A_0 = arith.muli %arg1, %mul3A : i32
    %add3A = arith.addi %mul3A_0, %arg0 : i32
    %mul3A_1 = arith.constant 10240 : i32
    %mul3A_2 = arith.muli %add3A, %mul3A_1 : i32
    "tpu.region"() ({
      %run_scoped3A = tpu.sem_alloc : memref<!tpu.dma_semaphore, #tpu.memory_space<semaphore_mem>>
      %dma_start3A = arith.constant 0 : i32
      %dma_start3A_84 = arith.constant 0 : i32
      %dma_start3A_85 = tpu.memref_slice %arg4[%dma_start3A, %dma_start3A_84] : memref<128x128xf32, #tpu.memory_space<hbm>> -> memref<128x128xf32, #tpu.memory_space<hbm>>
      %dma_start3A_86 = arith.constant 0 : i32
      %dma_start3A_87 = arith.constant 0 : i32
      %dma_start3A_88 = tpu.memref_slice %arg4[%dma_start3A_86, %dma_start3A_87] : memref<128x128xf32, #tpu.memory_space<hbm>> -> memref<128x128xf32, #tpu.memory_space<hbm>>
      tpu.enqueue_dma source(%dma_start3A_88 : memref<128x128xf32, #tpu.memory_space<hbm>>) target(%arg7 : memref<128x128xf32, #tpu.memory_space<vmem>>) target_semaphore(%run_scoped3A : memref<!tpu.dma_semaphore, #tpu.memory_space<semaphore_mem>>)
      %dma_wait3A = arith.constant 0 : i32
      %dma_wait3A_89 = arith.constant 0 : i32
      %dma_wait3A_90 = tpu.memref_slice %arg4[%dma_wait3A, %dma_wait3A_89] : memref<128x128xf32, #tpu.memory_space<hbm>> -> memref<128x128xf32, #tpu.memory_space<hbm>>
      %dma_wait3A_91 = arith.constant 0 : i32
      %dma_wait3A_92 = arith.constant 0 : i32
      %dma_wait3A_93 = tpu.memref_slice %arg4[%dma_wait3A_91, %dma_wait3A_92] : memref<128x128xf32, #tpu.memory_space<hbm>> -> memref<128x128xf32, #tpu.memory_space<hbm>>
      tpu.wait_dma2 semaphore(%run_scoped3A : memref<!tpu.dma_semaphore, #tpu.memory_space<semaphore_mem>>) src(%dma_wait3A_93 : memref<128x128xf32, #tpu.memory_space<hbm>>) dst(%arg7 : memref<128x128xf32, #tpu.memory_space<vmem>>)
      tpu.yield
    }) : () -> ()
    %mul3A_3 = arith.constant 640 : i32
    %mul3A_4 = arith.muli %arg1, %mul3A_3 : i32
    %add3A_5 = arith.constant 0 : i32
    %add3A_6 = arith.addi %mul3A_4, %add3A_5 : i32
    "tpu.region"() ({
      %run_scoped3A = tpu.sem_alloc : memref<!tpu.dma_semaphore, #tpu.memory_space<semaphore_mem>>
      %dma_start3A = arith.constant 0 : i32
      %dma_start3A_84 = tpu.memref_slice %arg8[%add3A_6, %dma_start3A] : memref<10240x128xf32, #tpu.memory_space<vmem_shared>> -> memref<128x128xf32, #tpu.memory_space<vmem_shared>>
      %dma_start3A_85 = arith.constant 0 : i32
      %dma_start3A_86 = tpu.memref_slice %arg8[%add3A_6, %dma_start3A_85] : memref<10240x128xf32, #tpu.memory_space<vmem_shared>> -> memref<128x128xf32, #tpu.memory_space<vmem_shared>>
      tpu.enqueue_dma source(%arg7 : memref<128x128xf32, #tpu.memory_space<vmem>>) target(%dma_start3A_86 : memref<128x128xf32, #tpu.memory_space<vmem_shared>>) target_semaphore(%run_scoped3A : memref<!tpu.dma_semaphore, #tpu.memory_space<semaphore_mem>>)
      %dma_wait3A = arith.constant 0 : i32
      %dma_wait3A_87 = tpu.memref_slice %arg8[%add3A_6, %dma_wait3A] : memref<10240x128xf32, #tpu.memory_space<vmem_shared>> -> memref<128x128xf32, #tpu.memory_space<vmem_shared>>
      %dma_wait3A_88 = arith.constant 0 : i32
      %dma_wait3A_89 = tpu.memref_slice %arg8[%add3A_6, %dma_wait3A_88] : memref<10240x128xf32, #tpu.memory_space<vmem_shared>> -> memref<128x128xf32, #tpu.memory_space<vmem_shared>>
      tpu.wait_dma2 semaphore(%run_scoped3A : memref<!tpu.dma_semaphore, #tpu.memory_space<semaphore_mem>>) src(%arg7 : memref<128x128xf32, #tpu.memory_space<vmem>>) dst(%dma_wait3A_89 : memref<128x128xf32, #tpu.memory_space<vmem_shared>>)
      tpu.yield
    }) : () -> ()
    %mul3A_7 = arith.constant 640 : i32
    %mul3A_8 = arith.muli %arg1, %mul3A_7 : i32
    %add3A_9 = arith.constant 128 : i32
    %add3A_10 = arith.addi %mul3A_8, %add3A_9 : i32
    "tpu.region"() ({
      %run_scoped3A = tpu.sem_alloc : memref<!tpu.dma_semaphore, #tpu.memory_space<semaphore_mem>>
      %dma_start3A = arith.constant 0 : i32
      %dma_start3A_84 = tpu.memref_slice %arg8[%add3A_10, %dma_start3A] : memref<10240x128xf32, #tpu.memory_space<vmem_shared>> -> memref<128x128xf32, #tpu.memory_space<vmem_shared>>
      %dma_start3A_85 = arith.constant 0 : i32
      %dma_start3A_86 = tpu.memref_slice %arg8[%add3A_10, %dma_start3A_85] : memref<10240x128xf32, #tpu.memory_space<vmem_shared>> -> memref<128x128xf32, #tpu.memory_space<vmem_shared>>
      tpu.enqueue_dma source(%arg7 : memref<128x128xf32, #tpu.memory_space<vmem>>) target(%dma_start3A_86 : memref<128x128xf32, #tpu.memory_space<vmem_shared>>) target_semaphore(%run_scoped3A : memref<!tpu.dma_semaphore, #tpu.memory_space<semaphore_mem>>)
      %dma_wait3A = arith.constant 0 : i32
      %dma_wait3A_87 = tpu.memref_slice %arg8[%add3A_10, %dma_wait3A] : memref<10240x128xf32, #tpu.memory_space<vmem_shared>> -> memref<128x128xf32, #tpu.memory_space<vmem_shared>>
      %dma_wait3A_88 = arith.constant 0 : i32
      %dma_wait3A_89 = tpu.memref_slice %arg8[%add3A_10, %dma_wait3A_88] : memref<10240x128xf32, #tpu.memory_space<vmem_shared>> -> memref<128x128xf32, #tpu.memory_space<vmem_shared>>
      tpu.wait_dma2 semaphore(%run_scoped3A : memref<!tpu.dma_semaphore, #tpu.memory_space<semaphore_mem>>) src(%arg7 : memref<128x128xf32, #tpu.memory_space<vmem>>) dst(%dma_wait3A_89 : memref<128x128xf32, #tpu.memory_space<vmem_shared>>)
      tpu.yield
    }) : () -> ()
    %mul3A_11 = arith.constant 640 : i32
    %mul3A_12 = arith.muli %arg1, %mul3A_11 : i32
    %add3A_13 = arith.constant 256 : i32
    %add3A_14 = arith.addi %mul3A_12, %add3A_13 : i32
    "tpu.region"() ({
      %run_scoped3A = tpu.sem_alloc : memref<!tpu.dma_semaphore, #tpu.memory_space<semaphore_mem>>
      %dma_start3A = arith.constant 0 : i32
      %dma_start3A_84 = tpu.memref_slice %arg8[%add3A_14, %dma_start3A] : memref<10240x128xf32, #tpu.memory_space<vmem_shared>> -> memref<128x128xf32, #tpu.memory_space<vmem_shared>>
      %dma_start3A_85 = arith.constant 0 : i32
      %dma_start3A_86 = tpu.memref_slice %arg8[%add3A_14, %dma_start3A_85] : memref<10240x128xf32, #tpu.memory_space<vmem_shared>> -> memref<128x128xf32, #tpu.memory_space<vmem_shared>>
      tpu.enqueue_dma source(%arg7 : memref<128x128xf32, #tpu.memory_space<vmem>>) target(%dma_start3A_86 : memref<128x128xf32, #tpu.memory_space<vmem_shared>>) target_semaphore(%run_scoped3A : memref<!tpu.dma_semaphore, #tpu.memory_space<semaphore_mem>>)
      %dma_wait3A = arith.constant 0 : i32
      %dma_wait3A_87 = tpu.memref_slice %arg8[%add3A_14, %dma_wait3A] : memref<10240x128xf32, #tpu.memory_space<vmem_shared>> -> memref<128x128xf32, #tpu.memory_space<vmem_shared>>
      %dma_wait3A_88 = arith.constant 0 : i32
      %dma_wait3A_89 = tpu.memref_slice %arg8[%add3A_14, %dma_wait3A_88] : memref<10240x128xf32, #tpu.memory_space<vmem_shared>> -> memref<128x128xf32, #tpu.memory_space<vmem_shared>>
      tpu.wait_dma2 semaphore(%run_scoped3A : memref<!tpu.dma_semaphore, #tpu.memory_space<semaphore_mem>>) src(%arg7 : memref<128x128xf32, #tpu.memory_space<vmem>>) dst(%dma_wait3A_89 : memref<128x128xf32, #tpu.memory_space<vmem_shared>>)
      tpu.yield
    }) : () -> ()
    %mul3A_15 = arith.constant 640 : i32
    %mul3A_16 = arith.muli %arg1, %mul3A_15 : i32
    %add3A_17 = arith.constant 384 : i32
    %add3A_18 = arith.addi %mul3A_16, %add3A_17 : i32
    "tpu.region"() ({
      %run_scoped3A = tpu.sem_alloc : memref<!tpu.dma_semaphore, #tpu.memory_space<semaphore_mem>>
      %dma_start3A = arith.constant 0 : i32
      %dma_start3A_84 = tpu.memref_slice %arg8[%add3A_18, %dma_start3A] : memref<10240x128xf32, #tpu.memory_space<vmem_shared>> -> memref<128x128xf32, #tpu.memory_space<vmem_shared>>
      %dma_start3A_85 = arith.constant 0 : i32
      %dma_start3A_86 = tpu.memref_slice %arg8[%add3A_18, %dma_start3A_85] : memref<10240x128xf32, #tpu.memory_space<vmem_shared>> -> memref<128x128xf32, #tpu.memory_space<vmem_shared>>
      tpu.enqueue_dma source(%arg7 : memref<128x128xf32, #tpu.memory_space<vmem>>) target(%dma_start3A_86 : memref<128x128xf32, #tpu.memory_space<vmem_shared>>) target_semaphore(%run_scoped3A : memref<!tpu.dma_semaphore, #tpu.memory_space<semaphore_mem>>)
      %dma_wait3A = arith.constant 0 : i32
      %dma_wait3A_87 = tpu.memref_slice %arg8[%add3A_18, %dma_wait3A] : memref<10240x128xf32, #tpu.memory_space<vmem_shared>> -> memref<128x128xf32, #tpu.memory_space<vmem_shared>>
      %dma_wait3A_88 = arith.constant 0 : i32
      %dma_wait3A_89 = tpu.memref_slice %arg8[%add3A_18, %dma_wait3A_88] : memref<10240x128xf32, #tpu.memory_space<vmem_shared>> -> memref<128x128xf32, #tpu.memory_space<vmem_shared>>
      tpu.wait_dma2 semaphore(%run_scoped3A : memref<!tpu.dma_semaphore, #tpu.memory_space<semaphore_mem>>) src(%arg7 : memref<128x128xf32, #tpu.memory_space<vmem>>) dst(%dma_wait3A_89 : memref<128x128xf32, #tpu.memory_space<vmem_shared>>)
      tpu.yield
    }) : () -> ()
    %mul3A_19 = arith.constant 640 : i32
    %mul3A_20 = arith.muli %arg1, %mul3A_19 : i32
    %add3A_21 = arith.constant 512 : i32
    %add3A_22 = arith.addi %mul3A_20, %add3A_21 : i32
    "tpu.region"() ({
      %run_scoped3A = tpu.sem_alloc : memref<!tpu.dma_semaphore, #tpu.memory_space<semaphore_mem>>
      %dma_start3A = arith.constant 0 : i32
      %dma_start3A_84 = tpu.memref_slice %arg8[%add3A_22, %dma_start3A] : memref<10240x128xf32, #tpu.memory_space<vmem_shared>> -> memref<128x128xf32, #tpu.memory_space<vmem_shared>>
      %dma_start3A_85 = arith.constant 0 : i32
      %dma_start3A_86 = tpu.memref_slice %arg8[%add3A_22, %dma_start3A_85] : memref<10240x128xf32, #tpu.memory_space<vmem_shared>> -> memref<128x128xf32, #tpu.memory_space<vmem_shared>>
      tpu.enqueue_dma source(%arg7 : memref<128x128xf32, #tpu.memory_space<vmem>>) target(%dma_start3A_86 : memref<128x128xf32, #tpu.memory_space<vmem_shared>>) target_semaphore(%run_scoped3A : memref<!tpu.dma_semaphore, #tpu.memory_space<semaphore_mem>>)
      %dma_wait3A = arith.constant 0 : i32
      %dma_wait3A_87 = tpu.memref_slice %arg8[%add3A_22, %dma_wait3A] : memref<10240x128xf32, #tpu.memory_space<vmem_shared>> -> memref<128x128xf32, #tpu.memory_space<vmem_shared>>
      %dma_wait3A_88 = arith.constant 0 : i32
      %dma_wait3A_89 = tpu.memref_slice %arg8[%add3A_22, %dma_wait3A_88] : memref<10240x128xf32, #tpu.memory_space<vmem_shared>> -> memref<128x128xf32, #tpu.memory_space<vmem_shared>>
      tpu.wait_dma2 semaphore(%run_scoped3A : memref<!tpu.dma_semaphore, #tpu.memory_space<semaphore_mem>>) src(%arg7 : memref<128x128xf32, #tpu.memory_space<vmem>>) dst(%dma_wait3A_89 : memref<128x128xf32, #tpu.memory_space<vmem_shared>>)
      tpu.yield
    }) : () -> ()
    %barrier3A = arith.constant 0 : index
    tpu.barrier barrier_id(%barrier3A)
    %scan3A = arith.constant 0 : i32
    %scan3A_23 = arith.constant 0 : i32
    %scan3A_24 = arith.constant 80 : i32
    %scan3A_25 = arith.addi %scan3A_23, %scan3A_24 : i32
    %scan3A_26 = arith.constant 1 : i32
    scf.for %scan3A_84 = %scan3A_23 to %scan3A_25 step %scan3A_26  : i32 {
      %mul3A_85 = arith.constant 128 : i32
      %mul3A_86 = arith.muli %scan3A_84, %mul3A_85 : i32
      %add3A_87 = arith.addi %mul3A_2, %mul3A_86 : i32
      "tpu.region"() ({
        %run_scoped3A = tpu.sem_alloc : memref<!tpu.dma_semaphore, #tpu.memory_space<semaphore_mem>>
        %dma_start3A = tpu.memref_slice %arg3[%add3A_87] : memref<327680xi32, #tpu.memory_space<hbm>> -> memref<128xi32, #tpu.memory_space<hbm>>
        %dma_start3A_88 = tpu.memref_slice %arg3[%add3A_87] : memref<327680xi32, #tpu.memory_space<hbm>> -> memref<128xi32, #tpu.memory_space<hbm>>
        tpu.enqueue_dma source(%dma_start3A_88 : memref<128xi32, #tpu.memory_space<hbm>>) target(%arg6 : memref<128xi32, #tpu.memory_space<vmem>>) target_semaphore(%run_scoped3A : memref<!tpu.dma_semaphore, #tpu.memory_space<semaphore_mem>>)
        %dma_wait3A = tpu.memref_slice %arg3[%add3A_87] : memref<327680xi32, #tpu.memory_space<hbm>> -> memref<128xi32, #tpu.memory_space<hbm>>
        %dma_wait3A_89 = tpu.memref_slice %arg3[%add3A_87] : memref<327680xi32, #tpu.memory_space<hbm>> -> memref<128xi32, #tpu.memory_space<hbm>>
        tpu.wait_dma2 semaphore(%run_scoped3A : memref<!tpu.dma_semaphore, #tpu.memory_space<semaphore_mem>>) src(%dma_wait3A_89 : memref<128xi32, #tpu.memory_space<hbm>>) dst(%arg6 : memref<128xi32, #tpu.memory_space<vmem>>)
        tpu.yield
      }) : () -> ()
      "tpu.region"() ({
        %run_scoped3A = tpu.sem_alloc : memref<!tpu.dma_semaphore, #tpu.memory_space<semaphore_mem>>
        %dma_start3A = arith.constant 0 : i32
        %dma_start3A_88 = tpu.memref_slice %arg2[%add3A_87, %dma_start3A] : memref<327680x128xf32, #tpu.memory_space<hbm>> -> memref<128x128xf32, #tpu.memory_space<hbm>>
        %dma_start3A_89 = arith.constant 0 : i32
        %dma_start3A_90 = tpu.memref_slice %arg2[%add3A_87, %dma_start3A_89] : memref<327680x128xf32, #tpu.memory_space<hbm>> -> memref<128x128xf32, #tpu.memory_space<hbm>>
        tpu.enqueue_dma source(%dma_start3A_90 : memref<128x128xf32, #tpu.memory_space<hbm>>) target(%arg7 : memref<128x128xf32, #tpu.memory_space<vmem>>) target_semaphore(%run_scoped3A : memref<!tpu.dma_semaphore, #tpu.memory_space<semaphore_mem>>)
        %dma_wait3A = arith.constant 0 : i32
        %dma_wait3A_91 = tpu.memref_slice %arg2[%add3A_87, %dma_wait3A] : memref<327680x128xf32, #tpu.memory_space<hbm>> -> memref<128x128xf32, #tpu.memory_space<hbm>>
        %dma_wait3A_92 = arith.constant 0 : i32
        %dma_wait3A_93 = tpu.memref_slice %arg2[%add3A_87, %dma_wait3A_92] : memref<327680x128xf32, #tpu.memory_space<hbm>> -> memref<128x128xf32, #tpu.memory_space<hbm>>
        tpu.wait_dma2 semaphore(%run_scoped3A : memref<!tpu.dma_semaphore, #tpu.memory_space<semaphore_mem>>) src(%dma_wait3A_93 : memref<128x128xf32, #tpu.memory_space<hbm>>) dst(%arg7 : memref<128x128xf32, #tpu.memory_space<vmem>>)
        tpu.yield
      }) : () -> ()
      "tpu.region"() ({
        %run_scoped3A = tpu.sem_alloc : memref<!tpu.dma_semaphore, #tpu.memory_space<semaphore_mem>>
        %dma_start3A = arith.constant 0 : i32
        %dma_start3A_88 = arith.constant 0 : i32
        %dma_start3A_89 = tpu.memref_slice %arg8[%dma_start3A, %dma_start3A_88] : memref<10240x128xf32, #tpu.memory_space<vmem_shared>> -> memref<10240x128xf32, #tpu.memory_space<vmem_shared>>
        tpu.enqueue_indirect_dma source(%arg7 : memref<128x128xf32, #tpu.memory_space<vmem>>) target(%dma_start3A_89 : memref<10240x128xf32, #tpu.memory_space<vmem_shared>>) offsets(%arg6 : memref<128xi32, #tpu.memory_space<vmem>>) semaphore(%run_scoped3A : memref<!tpu.dma_semaphore, #tpu.memory_space<semaphore_mem>>) {add = true}
        %dma_wait3A = arith.constant 0 : i32
        %dma_wait3A_90 = arith.constant 0 : i32
        %dma_wait3A_91 = tpu.memref_slice %arg8[%dma_wait3A, %dma_wait3A_90] : memref<10240x128xf32, #tpu.memory_space<vmem_shared>> -> memref<10240x128xf32, #tpu.memory_space<vmem_shared>>
        tpu.wait_indirect_dma semaphore(%run_scoped3A : memref<!tpu.dma_semaphore, #tpu.memory_space<semaphore_mem>>) src(%arg7 : memref<128x128xf32, #tpu.memory_space<vmem>>) dst(%dma_wait3A_91 : memref<10240x128xf32, #tpu.memory_space<vmem_shared>>)
        tpu.yield
      }) : () -> ()
    }
    %scan3A_27 = arith.constant 80 : i32
    %barrier3A_28 = arith.constant 0 : index
    tpu.barrier barrier_id(%barrier3A_28)
    %mul3A_29 = arith.constant 640 : i32
    %mul3A_30 = arith.muli %arg1, %mul3A_29 : i32
    %add3A_31 = arith.constant 0 : i32
    %add3A_32 = arith.addi %mul3A_30, %add3A_31 : i32
    "tpu.region"() ({
      %run_scoped3A = tpu.sem_alloc : memref<!tpu.dma_semaphore, #tpu.memory_space<semaphore_mem>>
      %dma_start3A = arith.constant 0 : i32
      %dma_start3A_84 = tpu.memref_slice %arg8[%add3A_32, %dma_start3A] : memref<10240x128xf32, #tpu.memory_space<vmem_shared>> -> memref<128x128xf32, #tpu.memory_space<vmem_shared>>
      %dma_start3A_85 = arith.constant 0 : i32
      %dma_start3A_86 = tpu.memref_slice %arg8[%add3A_32, %dma_start3A_85] : memref<10240x128xf32, #tpu.memory_space<vmem_shared>> -> memref<128x128xf32, #tpu.memory_space<vmem_shared>>
      tpu.enqueue_dma source(%dma_start3A_86 : memref<128x128xf32, #tpu.memory_space<vmem_shared>>) target(%arg7 : memref<128x128xf32, #tpu.memory_space<vmem>>) target_semaphore(%run_scoped3A : memref<!tpu.dma_semaphore, #tpu.memory_space<semaphore_mem>>)
      %dma_wait3A = arith.constant 0 : i32
      %dma_wait3A_87 = tpu.memref_slice %arg8[%add3A_32, %dma_wait3A] : memref<10240x128xf32, #tpu.memory_space<vmem_shared>> -> memref<128x128xf32, #tpu.memory_space<vmem_shared>>
      %dma_wait3A_88 = arith.constant 0 : i32
      %dma_wait3A_89 = tpu.memref_slice %arg8[%add3A_32, %dma_wait3A_88] : memref<10240x128xf32, #tpu.memory_space<vmem_shared>> -> memref<128x128xf32, #tpu.memory_space<vmem_shared>>
      tpu.wait_dma2 semaphore(%run_scoped3A : memref<!tpu.dma_semaphore, #tpu.memory_space<semaphore_mem>>) src(%dma_wait3A_89 : memref<128x128xf32, #tpu.memory_space<vmem_shared>>) dst(%arg7 : memref<128x128xf32, #tpu.memory_space<vmem>>)
      tpu.yield
    }) : () -> ()
    %mul3A_33 = arith.constant 10240 : i32
    %mul3A_34 = arith.muli %arg0, %mul3A_33 : i32
    %mul3A_35 = arith.constant 640 : i32
    %mul3A_36 = arith.muli %arg1, %mul3A_35 : i32
    %add3A_37 = arith.addi %mul3A_34, %mul3A_36 : i32
    %add3A_38 = arith.constant 0 : i32
    %add3A_39 = arith.addi %add3A_37, %add3A_38 : i32
    "tpu.region"() ({
      %run_scoped3A = tpu.sem_alloc : memref<!tpu.dma_semaphore, #tpu.memory_space<semaphore_mem>>
      %dma_start3A = arith.constant 0 : i32
      %dma_start3A_84 = tpu.memref_slice %arg5[%add3A_39, %dma_start3A] : memref<20480x128xf32, #tpu.memory_space<hbm>> -> memref<128x128xf32, #tpu.memory_space<hbm>>
      %dma_start3A_85 = arith.constant 0 : i32
      %dma_start3A_86 = tpu.memref_slice %arg5[%add3A_39, %dma_start3A_85] : memref<20480x128xf32, #tpu.memory_space<hbm>> -> memref<128x128xf32, #tpu.memory_space<hbm>>
      tpu.enqueue_dma source(%arg7 : memref<128x128xf32, #tpu.memory_space<vmem>>) target(%dma_start3A_86 : memref<128x128xf32, #tpu.memory_space<hbm>>) target_semaphore(%run_scoped3A : memref<!tpu.dma_semaphore, #tpu.memory_space<semaphore_mem>>)
      %dma_wait3A = arith.constant 0 : i32
      %dma_wait3A_87 = tpu.memref_slice %arg5[%add3A_39, %dma_wait3A] : memref<20480x128xf32, #tpu.memory_space<hbm>> -> memref<128x128xf32, #tpu.memory_space<hbm>>
      %dma_wait3A_88 = arith.constant 0 : i32
      %dma_wait3A_89 = tpu.memref_slice %arg5[%add3A_39, %dma_wait3A_88] : memref<20480x128xf32, #tpu.memory_space<hbm>> -> memref<128x128xf32, #tpu.memory_space<hbm>>
      tpu.wait_dma2 semaphore(%run_scoped3A : memref<!tpu.dma_semaphore, #tpu.memory_space<semaphore_mem>>) src(%arg7 : memref<128x128xf32, #tpu.memory_space<vmem>>) dst(%dma_wait3A_89 : memref<128x128xf32, #tpu.memory_space<hbm>>)
      tpu.yield
    }) : () -> ()
    %mul3A_40 = arith.constant 640 : i32
    %mul3A_41 = arith.muli %arg1, %mul3A_40 : i32
    %add3A_42 = arith.constant 128 : i32
    %add3A_43 = arith.addi %mul3A_41, %add3A_42 : i32
    "tpu.region"() ({
      %run_scoped3A = tpu.sem_alloc : memref<!tpu.dma_semaphore, #tpu.memory_space<semaphore_mem>>
      %dma_start3A = arith.constant 0 : i32
      %dma_start3A_84 = tpu.memref_slice %arg8[%add3A_43, %dma_start3A] : memref<10240x128xf32, #tpu.memory_space<vmem_shared>> -> memref<128x128xf32, #tpu.memory_space<vmem_shared>>
      %dma_start3A_85 = arith.constant 0 : i32
      %dma_start3A_86 = tpu.memref_slice %arg8[%add3A_43, %dma_start3A_85] : memref<10240x128xf32, #tpu.memory_space<vmem_shared>> -> memref<128x128xf32, #tpu.memory_space<vmem_shared>>
      tpu.enqueue_dma source(%dma_start3A_86 : memref<128x128xf32, #tpu.memory_space<vmem_shared>>) target(%arg7 : memref<128x128xf32, #tpu.memory_space<vmem>>) target_semaphore(%run_scoped3A : memref<!tpu.dma_semaphore, #tpu.memory_space<semaphore_mem>>)
      %dma_wait3A = arith.constant 0 : i32
      %dma_wait3A_87 = tpu.memref_slice %arg8[%add3A_43, %dma_wait3A] : memref<10240x128xf32, #tpu.memory_space<vmem_shared>> -> memref<128x128xf32, #tpu.memory_space<vmem_shared>>
      %dma_wait3A_88 = arith.constant 0 : i32
      %dma_wait3A_89 = tpu.memref_slice %arg8[%add3A_43, %dma_wait3A_88] : memref<10240x128xf32, #tpu.memory_space<vmem_shared>> -> memref<128x128xf32, #tpu.memory_space<vmem_shared>>
      tpu.wait_dma2 semaphore(%run_scoped3A : memref<!tpu.dma_semaphore, #tpu.memory_space<semaphore_mem>>) src(%dma_wait3A_89 : memref<128x128xf32, #tpu.memory_space<vmem_shared>>) dst(%arg7 : memref<128x128xf32, #tpu.memory_space<vmem>>)
      tpu.yield
    }) : () -> ()
    %mul3A_44 = arith.constant 10240 : i32
    %mul3A_45 = arith.muli %arg0, %mul3A_44 : i32
    %mul3A_46 = arith.constant 640 : i32
    %mul3A_47 = arith.muli %arg1, %mul3A_46 : i32
    %add3A_48 = arith.addi %mul3A_45, %mul3A_47 : i32
    %add3A_49 = arith.constant 128 : i32
    %add3A_50 = arith.addi %add3A_48, %add3A_49 : i32
    "tpu.region"() ({
      %run_scoped3A = tpu.sem_alloc : memref<!tpu.dma_semaphore, #tpu.memory_space<semaphore_mem>>
      %dma_start3A = arith.constant 0 : i32
      %dma_start3A_84 = tpu.memref_slice %arg5[%add3A_50, %dma_start3A] : memref<20480x128xf32, #tpu.memory_space<hbm>> -> memref<128x128xf32, #tpu.memory_space<hbm>>
      %dma_start3A_85 = arith.constant 0 : i32
      %dma_start3A_86 = tpu.memref_slice %arg5[%add3A_50, %dma_start3A_85] : memref<20480x128xf32, #tpu.memory_space<hbm>> -> memref<128x128xf32, #tpu.memory_space<hbm>>
      tpu.enqueue_dma source(%arg7 : memref<128x128xf32, #tpu.memory_space<vmem>>) target(%dma_start3A_86 : memref<128x128xf32, #tpu.memory_space<hbm>>) target_semaphore(%run_scoped3A : memref<!tpu.dma_semaphore, #tpu.memory_space<semaphore_mem>>)
      %dma_wait3A = arith.constant 0 : i32
      %dma_wait3A_87 = tpu.memref_slice %arg5[%add3A_50, %dma_wait3A] : memref<20480x128xf32, #tpu.memory_space<hbm>> -> memref<128x128xf32, #tpu.memory_space<hbm>>
      %dma_wait3A_88 = arith.constant 0 : i32
      %dma_wait3A_89 = tpu.memref_slice %arg5[%add3A_50, %dma_wait3A_88] : memref<20480x128xf32, #tpu.memory_space<hbm>> -> memref<128x128xf32, #tpu.memory_space<hbm>>
      tpu.wait_dma2 semaphore(%run_scoped3A : memref<!tpu.dma_semaphore, #tpu.memory_space<semaphore_mem>>) src(%arg7 : memref<128x128xf32, #tpu.memory_space<vmem>>) dst(%dma_wait3A_89 : memref<128x128xf32, #tpu.memory_space<hbm>>)
      tpu.yield
    }) : () -> ()
    %mul3A_51 = arith.constant 640 : i32
    %mul3A_52 = arith.muli %arg1, %mul3A_51 : i32
    %add3A_53 = arith.constant 256 : i32
    %add3A_54 = arith.addi %mul3A_52, %add3A_53 : i32
    "tpu.region"() ({
      %run_scoped3A = tpu.sem_alloc : memref<!tpu.dma_semaphore, #tpu.memory_space<semaphore_mem>>
      %dma_start3A = arith.constant 0 : i32
      %dma_start3A_84 = tpu.memref_slice %arg8[%add3A_54, %dma_start3A] : memref<10240x128xf32, #tpu.memory_space<vmem_shared>> -> memref<128x128xf32, #tpu.memory_space<vmem_shared>>
      %dma_start3A_85 = arith.constant 0 : i32
      %dma_start3A_86 = tpu.memref_slice %arg8[%add3A_54, %dma_start3A_85] : memref<10240x128xf32, #tpu.memory_space<vmem_shared>> -> memref<128x128xf32, #tpu.memory_space<vmem_shared>>
      tpu.enqueue_dma source(%dma_start3A_86 : memref<128x128xf32, #tpu.memory_space<vmem_shared>>) target(%arg7 : memref<128x128xf32, #tpu.memory_space<vmem>>) target_semaphore(%run_scoped3A : memref<!tpu.dma_semaphore, #tpu.memory_space<semaphore_mem>>)
      %dma_wait3A = arith.constant 0 : i32
      %dma_wait3A_87 = tpu.memref_slice %arg8[%add3A_54, %dma_wait3A] : memref<10240x128xf32, #tpu.memory_space<vmem_shared>> -> memref<128x128xf32, #tpu.memory_space<vmem_shared>>
      %dma_wait3A_88 = arith.constant 0 : i32
      %dma_wait3A_89 = tpu.memref_slice %arg8[%add3A_54, %dma_wait3A_88] : memref<10240x128xf32, #tpu.memory_space<vmem_shared>> -> memref<128x128xf32, #tpu.memory_space<vmem_shared>>
      tpu.wait_dma2 semaphore(%run_scoped3A : memref<!tpu.dma_semaphore, #tpu.memory_space<semaphore_mem>>) src(%dma_wait3A_89 : memref<128x128xf32, #tpu.memory_space<vmem_shared>>) dst(%arg7 : memref<128x128xf32, #tpu.memory_space<vmem>>)
      tpu.yield
    }) : () -> ()
    %mul3A_55 = arith.constant 10240 : i32
    %mul3A_56 = arith.muli %arg0, %mul3A_55 : i32
    %mul3A_57 = arith.constant 640 : i32
    %mul3A_58 = arith.muli %arg1, %mul3A_57 : i32
    %add3A_59 = arith.addi %mul3A_56, %mul3A_58 : i32
    %add3A_60 = arith.constant 256 : i32
    %add3A_61 = arith.addi %add3A_59, %add3A_60 : i32
    "tpu.region"() ({
      %run_scoped3A = tpu.sem_alloc : memref<!tpu.dma_semaphore, #tpu.memory_space<semaphore_mem>>
      %dma_start3A = arith.constant 0 : i32
      %dma_start3A_84 = tpu.memref_slice %arg5[%add3A_61, %dma_start3A] : memref<20480x128xf32, #tpu.memory_space<hbm>> -> memref<128x128xf32, #tpu.memory_space<hbm>>
      %dma_start3A_85 = arith.constant 0 : i32
      %dma_start3A_86 = tpu.memref_slice %arg5[%add3A_61, %dma_start3A_85] : memref<20480x128xf32, #tpu.memory_space<hbm>> -> memref<128x128xf32, #tpu.memory_space<hbm>>
      tpu.enqueue_dma source(%arg7 : memref<128x128xf32, #tpu.memory_space<vmem>>) target(%dma_start3A_86 : memref<128x128xf32, #tpu.memory_space<hbm>>) target_semaphore(%run_scoped3A : memref<!tpu.dma_semaphore, #tpu.memory_space<semaphore_mem>>)
      %dma_wait3A = arith.constant 0 : i32
      %dma_wait3A_87 = tpu.memref_slice %arg5[%add3A_61, %dma_wait3A] : memref<20480x128xf32, #tpu.memory_space<hbm>> -> memref<128x128xf32, #tpu.memory_space<hbm>>
      %dma_wait3A_88 = arith.constant 0 : i32
      %dma_wait3A_89 = tpu.memref_slice %arg5[%add3A_61, %dma_wait3A_88] : memref<20480x128xf32, #tpu.memory_space<hbm>> -> memref<128x128xf32, #tpu.memory_space<hbm>>
      tpu.wait_dma2 semaphore(%run_scoped3A : memref<!tpu.dma_semaphore, #tpu.memory_space<semaphore_mem>>) src(%arg7 : memref<128x128xf32, #tpu.memory_space<vmem>>) dst(%dma_wait3A_89 : memref<128x128xf32, #tpu.memory_space<hbm>>)
      tpu.yield
    }) : () -> ()
    %mul3A_62 = arith.constant 640 : i32
    %mul3A_63 = arith.muli %arg1, %mul3A_62 : i32
    %add3A_64 = arith.constant 384 : i32
    %add3A_65 = arith.addi %mul3A_63, %add3A_64 : i32
    "tpu.region"() ({
      %run_scoped3A = tpu.sem_alloc : memref<!tpu.dma_semaphore, #tpu.memory_space<semaphore_mem>>
      %dma_start3A = arith.constant 0 : i32
      %dma_start3A_84 = tpu.memref_slice %arg8[%add3A_65, %dma_start3A] : memref<10240x128xf32, #tpu.memory_space<vmem_shared>> -> memref<128x128xf32, #tpu.memory_space<vmem_shared>>
      %dma_start3A_85 = arith.constant 0 : i32
      %dma_start3A_86 = tpu.memref_slice %arg8[%add3A_65, %dma_start3A_85] : memref<10240x128xf32, #tpu.memory_space<vmem_shared>> -> memref<128x128xf32, #tpu.memory_space<vmem_shared>>
      tpu.enqueue_dma source(%dma_start3A_86 : memref<128x128xf32, #tpu.memory_space<vmem_shared>>) target(%arg7 : memref<128x128xf32, #tpu.memory_space<vmem>>) target_semaphore(%run_scoped3A : memref<!tpu.dma_semaphore, #tpu.memory_space<semaphore_mem>>)
      %dma_wait3A = arith.constant 0 : i32
      %dma_wait3A_87 = tpu.memref_slice %arg8[%add3A_65, %dma_wait3A] : memref<10240x128xf32, #tpu.memory_space<vmem_shared>> -> memref<128x128xf32, #tpu.memory_space<vmem_shared>>
      %dma_wait3A_88 = arith.constant 0 : i32
      %dma_wait3A_89 = tpu.memref_slice %arg8[%add3A_65, %dma_wait3A_88] : memref<10240x128xf32, #tpu.memory_space<vmem_shared>> -> memref<128x128xf32, #tpu.memory_space<vmem_shared>>
      tpu.wait_dma2 semaphore(%run_scoped3A : memref<!tpu.dma_semaphore, #tpu.memory_space<semaphore_mem>>) src(%dma_wait3A_89 : memref<128x128xf32, #tpu.memory_space<vmem_shared>>) dst(%arg7 : memref<128x128xf32, #tpu.memory_space<vmem>>)
      tpu.yield
    }) : () -> ()
    %mul3A_66 = arith.constant 10240 : i32
    %mul3A_67 = arith.muli %arg0, %mul3A_66 : i32
    %mul3A_68 = arith.constant 640 : i32
    %mul3A_69 = arith.muli %arg1, %mul3A_68 : i32
    %add3A_70 = arith.addi %mul3A_67, %mul3A_69 : i32
    %add3A_71 = arith.constant 384 : i32
    %add3A_72 = arith.addi %add3A_70, %add3A_71 : i32
    "tpu.region"() ({
      %run_scoped3A = tpu.sem_alloc : memref<!tpu.dma_semaphore, #tpu.memory_space<semaphore_mem>>
      %dma_start3A = arith.constant 0 : i32
      %dma_start3A_84 = tpu.memref_slice %arg5[%add3A_72, %dma_start3A] : memref<20480x128xf32, #tpu.memory_space<hbm>> -> memref<128x128xf32, #tpu.memory_space<hbm>>
      %dma_start3A_85 = arith.constant 0 : i32
      %dma_start3A_86 = tpu.memref_slice %arg5[%add3A_72, %dma_start3A_85] : memref<20480x128xf32, #tpu.memory_space<hbm>> -> memref<128x128xf32, #tpu.memory_space<hbm>>
      tpu.enqueue_dma source(%arg7 : memref<128x128xf32, #tpu.memory_space<vmem>>) target(%dma_start3A_86 : memref<128x128xf32, #tpu.memory_space<hbm>>) target_semaphore(%run_scoped3A : memref<!tpu.dma_semaphore, #tpu.memory_space<semaphore_mem>>)
      %dma_wait3A = arith.constant 0 : i32
      %dma_wait3A_87 = tpu.memref_slice %arg5[%add3A_72, %dma_wait3A] : memref<20480x128xf32, #tpu.memory_space<hbm>> -> memref<128x128xf32, #tpu.memory_space<hbm>>
      %dma_wait3A_88 = arith.constant 0 : i32
      %dma_wait3A_89 = tpu.memref_slice %arg5[%add3A_72, %dma_wait3A_88] : memref<20480x128xf32, #tpu.memory_space<hbm>> -> memref<128x128xf32, #tpu.memory_space<hbm>>
      tpu.wait_dma2 semaphore(%run_scoped3A : memref<!tpu.dma_semaphore, #tpu.memory_space<semaphore_mem>>) src(%arg7 : memref<128x128xf32, #tpu.memory_space<vmem>>) dst(%dma_wait3A_89 : memref<128x128xf32, #tpu.memory_space<hbm>>)
      tpu.yield
    }) : () -> ()
    %mul3A_73 = arith.constant 640 : i32
    %mul3A_74 = arith.muli %arg1, %mul3A_73 : i32
    %add3A_75 = arith.constant 512 : i32
    %add3A_76 = arith.addi %mul3A_74, %add3A_75 : i32
    "tpu.region"() ({
      %run_scoped3A = tpu.sem_alloc : memref<!tpu.dma_semaphore, #tpu.memory_space<semaphore_mem>>
      %dma_start3A = arith.constant 0 : i32
      %dma_start3A_84 = tpu.memref_slice %arg8[%add3A_76, %dma_start3A] : memref<10240x128xf32, #tpu.memory_space<vmem_shared>> -> memref<128x128xf32, #tpu.memory_space<vmem_shared>>
      %dma_start3A_85 = arith.constant 0 : i32
      %dma_start3A_86 = tpu.memref_slice %arg8[%add3A_76, %dma_start3A_85] : memref<10240x128xf32, #tpu.memory_space<vmem_shared>> -> memref<128x128xf32, #tpu.memory_space<vmem_shared>>
      tpu.enqueue_dma source(%dma_start3A_86 : memref<128x128xf32, #tpu.memory_space<vmem_shared>>) target(%arg7 : memref<128x128xf32, #tpu.memory_space<vmem>>) target_semaphore(%run_scoped3A : memref<!tpu.dma_semaphore, #tpu.memory_space<semaphore_mem>>)
      %dma_wait3A = arith.constant 0 : i32
      %dma_wait3A_87 = tpu.memref_slice %arg8[%add3A_76, %dma_wait3A] : memref<10240x128xf32, #tpu.memory_space<vmem_shared>> -> memref<128x128xf32, #tpu.memory_space<vmem_shared>>
      %dma_wait3A_88 = arith.constant 0 : i32
      %dma_wait3A_89 = tpu.memref_slice %arg8[%add3A_76, %dma_wait3A_88] : memref<10240x128xf32, #tpu.memory_space<vmem_shared>> -> memref<128x128xf32, #tpu.memory_space<vmem_shared>>
      tpu.wait_dma2 semaphore(%run_scoped3A : memref<!tpu.dma_semaphore, #tpu.memory_space<semaphore_mem>>) src(%dma_wait3A_89 : memref<128x128xf32, #tpu.memory_space<vmem_shared>>) dst(%arg7 : memref<128x128xf32, #tpu.memory_space<vmem>>)
      tpu.yield
    }) : () -> ()
    %mul3A_77 = arith.constant 10240 : i32
    %mul3A_78 = arith.muli %arg0, %mul3A_77 : i32
    %mul3A_79 = arith.constant 640 : i32
    %mul3A_80 = arith.muli %arg1, %mul3A_79 : i32
    %add3A_81 = arith.addi %mul3A_78, %mul3A_80 : i32
    %add3A_82 = arith.constant 512 : i32
    %add3A_83 = arith.addi %add3A_81, %add3A_82 : i32
    "tpu.region"() ({
      %run_scoped3A = tpu.sem_alloc : memref<!tpu.dma_semaphore, #tpu.memory_space<semaphore_mem>>
      %dma_start3A = arith.constant 0 : i32
      %dma_start3A_84 = tpu.memref_slice %arg5[%add3A_83, %dma_start3A] : memref<20480x128xf32, #tpu.memory_space<hbm>> -> memref<128x128xf32, #tpu.memory_space<hbm>>
      %dma_start3A_85 = arith.constant 0 : i32
      %dma_start3A_86 = tpu.memref_slice %arg5[%add3A_83, %dma_start3A_85] : memref<20480x128xf32, #tpu.memory_space<hbm>> -> memref<128x128xf32, #tpu.memory_space<hbm>>
      tpu.enqueue_dma source(%arg7 : memref<128x128xf32, #tpu.memory_space<vmem>>) target(%dma_start3A_86 : memref<128x128xf32, #tpu.memory_space<hbm>>) target_semaphore(%run_scoped3A : memref<!tpu.dma_semaphore, #tpu.memory_space<semaphore_mem>>)
      %dma_wait3A = arith.constant 0 : i32
      %dma_wait3A_87 = tpu.memref_slice %arg5[%add3A_83, %dma_wait3A] : memref<20480x128xf32, #tpu.memory_space<hbm>> -> memref<128x128xf32, #tpu.memory_space<hbm>>
      %dma_wait3A_88 = arith.constant 0 : i32
      %dma_wait3A_89 = tpu.memref_slice %arg5[%add3A_83, %dma_wait3A_88] : memref<20480x128xf32, #tpu.memory_space<hbm>> -> memref<128x128xf32, #tpu.memory_space<hbm>>
      tpu.wait_dma2 semaphore(%run_scoped3A : memref<!tpu.dma_semaphore, #tpu.memory_space<semaphore_mem>>) src(%arg7 : memref<128x128xf32, #tpu.memory_space<vmem>>) dst(%dma_wait3A_89 : memref<128x128xf32, #tpu.memory_space<hbm>>)
      tpu.yield
    }) : () -> ()
    return
  }
}

module attributes {stable_mosaic.version = 14 : i64} {
  func.func @_pre_body(%arg0: memref<10000x128xf32, #tpu.memory_space<vmem>>, %arg1: memref<128x64xf32, #tpu.memory_space<vmem>>, %arg2: memref<10000x1xf32, #tpu.memory_space<vmem>>, %arg3: memref<10000x1xf32, #tpu.memory_space<vmem>>, %arg4: memref<10000x64xf32, #tpu.memory_space<vmem>>, %arg5: memref<10000x128xf32, #tpu.memory_space<vmem>>, %arg6: memref<10000x1xf32, #tpu.memory_space<vmem>>) attributes {dimension_semantics = [], scalar_prefetch = 0 : i64, scratch_operands = 0 : i64, tpu.core_type = #tpu.core_type<tc>} {
    %get3A = arith.constant 0 : index
    %get3A_0 = arith.constant 0 : index
    %get3A_1 = vector.load %arg2[%get3A, %get3A_0] : memref<10000x1xf32, #tpu.memory_space<vmem>>, vector<10000x1xf32>
    %get3A_2 = arith.constant 0 : index
    %get3A_3 = arith.constant 0 : index
    %get3A_4 = vector.load %arg3[%get3A_2, %get3A_3] : memref<10000x1xf32, #tpu.memory_space<vmem>>, vector<10000x1xf32>
    %add3A = arith.addf %get3A_1, %get3A_4 : vector<10000x1xf32>
    %add3A_5 = arith.constant 1.000000e+00 : f32
    %add3A_6 = vector.broadcast %add3A_5 : f32 to vector<10000x1xf32>
    %add3A_7 = arith.addf %add3A, %add3A_6 : vector<10000x1xf32>
    %rsqrt3A = math.rsqrt %add3A_7 : vector<10000x1xf32>
    %get3A_8 = arith.constant 0 : index
    %get3A_9 = arith.constant 0 : index
    %get3A_10 = vector.load %arg0[%get3A_8, %get3A_9] : memref<10000x128xf32, #tpu.memory_space<vmem>>, vector<10000x128xf32>
    %get3A_11 = arith.constant 0 : index
    %get3A_12 = arith.constant 0 : index
    %get3A_13 = vector.load %arg1[%get3A_11, %get3A_12] : memref<128x64xf32, #tpu.memory_space<vmem>>, vector<128x64xf32>
    %dot_general3A = arith.constant dense<0.000000e+00> : vector<10000x64xf32>
    %dot_general3A_14 = tpu.matmul %get3A_10, %get3A_13, %dot_general3A {dimension_numbers = #tpu.dot_dimension_numbers<[1], [0], [0], [1], [0, 0, 1, 1], [], []>, transpose_lhs_hint = false} : vector<10000x128xf32>, vector<128x64xf32>, vector<10000x64xf32> -> vector<10000x64xf32>
    %mul3A = vector.broadcast %rsqrt3A : vector<10000x1xf32> to vector<10000x64xf32>
    %mul3A_15 = arith.mulf %dot_general3A_14, %mul3A : vector<10000x64xf32>
    %swap3A = arith.constant 0 : index
    %swap3A_16 = arith.constant 0 : index
    %swap3A_17 = vector.load %arg4[%swap3A, %swap3A_16] : memref<10000x64xf32, #tpu.memory_space<vmem>>, vector<10000x64xf32>
    tpu.vector_store %arg4[%swap3A, %swap3A_16], %mul3A_15 {strides = array<i32>} : memref<10000x64xf32, #tpu.memory_space<vmem>>, vector<10000x64xf32>,
    %broadcast_in_dim3A = arith.constant 0.000000e+00 : f32
    %broadcast_in_dim3A_18 = vector.broadcast %broadcast_in_dim3A : f32 to vector<10000x64xf32>
    %concatenate3A = tpu.concatenate %mul3A_15, %broadcast_in_dim3A_18 in 1 : vector<10000x64xf32>, vector<10000x64xf32> -> vector<10000x128xf32>
    %swap3A_19 = arith.constant 0 : index
    %swap3A_20 = arith.constant 0 : index
    %swap3A_21 = vector.load %arg5[%swap3A_19, %swap3A_20] : memref<10000x128xf32, #tpu.memory_space<vmem>>, vector<10000x128xf32>
    tpu.vector_store %arg5[%swap3A_19, %swap3A_20], %concatenate3A {strides = array<i32>} : memref<10000x128xf32, #tpu.memory_space<vmem>>, vector<10000x128xf32>,
    %swap3A_22 = arith.constant 0 : index
    %swap3A_23 = arith.constant 0 : index
    %swap3A_24 = vector.load %arg6[%swap3A_22, %swap3A_23] : memref<10000x1xf32, #tpu.memory_space<vmem>>, vector<10000x1xf32>
    tpu.vector_store %arg6[%swap3A_22, %swap3A_23], %rsqrt3A {strides = array<i32>} : memref<10000x1xf32, #tpu.memory_space<vmem>>, vector<10000x1xf32>,
    return
  }
}

module attributes {stable_mosaic.version = 14 : i64} {
  func.func @_scale_body(%arg0: i32, %arg1: memref<4096x128xf32, #tpu.memory_space<vmem>>, %arg2: memref<4096x1xf32, #tpu.memory_space<vmem>>, %arg3: memref<4096x128xf32, #tpu.memory_space<vmem>>) attributes {dimension_semantics = [#tpu.dimension_semantics<arbitrary>], iteration_bounds = array<i64: 80>, scalar_prefetch = 0 : i64, scratch_operands = 0 : i64, tpu.core_type = #tpu.core_type<tc>, window_params = [{transform_indices = @transform_0, window_bounds = array<i64: 4096, 128>}, {transform_indices = @transform_1, window_bounds = array<i64: 4096, 1>}, {transform_indices = @transform_2, window_bounds = array<i64: 4096, 128>}]} {
    %get3A = arith.constant 0 : index
    %get3A_0 = arith.constant 0 : index
    %get3A_1 = vector.load %arg1[%get3A, %get3A_0] : memref<4096x128xf32, #tpu.memory_space<vmem>>, vector<4096x128xf32>
    %get3A_2 = arith.constant 0 : index
    %get3A_3 = arith.constant 0 : index
    %get3A_4 = vector.load %arg2[%get3A_2, %get3A_3] : memref<4096x1xf32, #tpu.memory_space<vmem>>, vector<4096x1xf32>
    %mul3A = vector.broadcast %get3A_4 : vector<4096x1xf32> to vector<4096x128xf32>
    %mul3A_5 = arith.mulf %get3A_1, %mul3A : vector<4096x128xf32>
    %swap3A = arith.constant 0 : index
    %swap3A_6 = arith.constant 0 : index
    %swap3A_7 = vector.load %arg3[%swap3A, %swap3A_6] : memref<4096x128xf32, #tpu.memory_space<vmem>>, vector<4096x128xf32>
    tpu.vector_store %arg3[%swap3A, %swap3A_6], %mul3A_5 {strides = array<i32>} : memref<4096x128xf32, #tpu.memory_space<vmem>>, vector<4096x128xf32>,
    return
  }
  func.func @transform_0(%arg0: i32) -> (i32, i32) {
    %c0_i32 = arith.constant 0 : i32
    %c0_i32_0 = arith.constant 0 : i32
    return %arg0, %c0_i32 : i32, i32
  }
  func.func @transform_1(%arg0: i32) -> (i32, i32) {
    %c0_i32 = arith.constant 0 : i32
    %c0_i32_0 = arith.constant 0 : i32
    return %arg0, %c0_i32 : i32, i32
  }
  func.func @transform_2(%arg0: i32) -> (i32, i32) {
    %c0_i32 = arith.constant 0 : i32
    %c0_i32_0 = arith.constant 0 : i32
    return %arg0, %c0_i32 : i32, i32
  }
}

module attributes {stable_mosaic.version = 14 : i64} {
  func.func @_post_body(%arg0: memref<10000x128xf32, #tpu.memory_space<vmem>>, %arg1: memref<10000x128xf32, #tpu.memory_space<vmem>>, %arg2: memref<10000x64xf32, #tpu.memory_space<vmem>>, %arg3: memref<10000x1xf32, #tpu.memory_space<vmem>>, %arg4: memref<1x64xf32, #tpu.memory_space<vmem>>, %arg5: memref<64x32xf32, #tpu.memory_space<vmem>>, %arg6: memref<1x32xf32, #tpu.memory_space<vmem>>, %arg7: memref<32x16xf32, #tpu.memory_space<vmem>>, %arg8: memref<1x16xf32, #tpu.memory_space<vmem>>, %arg9: memref<16x4xf32, #tpu.memory_space<vmem>>, %arg10: memref<1x4xf32, #tpu.memory_space<vmem>>, %arg11: memref<10000x4xf32, #tpu.memory_space<vmem>>) attributes {dimension_semantics = [], scalar_prefetch = 0 : i64, scratch_operands = 0 : i64, tpu.core_type = #tpu.core_type<tc>} {
    %get3A = arith.constant 0 : index
    %get3A_0 = arith.constant 0 : index
    %get3A_1 = vector.load %arg0[%get3A, %get3A_0] : memref<10000x128xf32, #tpu.memory_space<vmem>>, vector<10000x64xf32>
    %get3A_2 = arith.constant 0 : index
    %get3A_3 = arith.constant 0 : index
    %get3A_4 = vector.load %arg1[%get3A_2, %get3A_3] : memref<10000x128xf32, #tpu.memory_space<vmem>>, vector<10000x64xf32>
    %add3A = arith.addf %get3A_1, %get3A_4 : vector<10000x64xf32>
    %get3A_5 = arith.constant 0 : index
    %get3A_6 = arith.constant 0 : index
    %get3A_7 = vector.load %arg2[%get3A_5, %get3A_6] : memref<10000x64xf32, #tpu.memory_space<vmem>>, vector<10000x64xf32>
    %add3A_8 = arith.addf %add3A, %get3A_7 : vector<10000x64xf32>
    %get3A_9 = arith.constant 0 : index
    %get3A_10 = arith.constant 0 : index
    %get3A_11 = vector.load %arg3[%get3A_9, %get3A_10] : memref<10000x1xf32, #tpu.memory_space<vmem>>, vector<10000x1xf32>
    %mul3A = vector.broadcast %get3A_11 : vector<10000x1xf32> to vector<10000x64xf32>
    %mul3A_12 = arith.mulf %add3A_8, %mul3A : vector<10000x64xf32>
    %get3A_13 = arith.constant 0 : index
    %get3A_14 = arith.constant 0 : index
    %get3A_15 = vector.load %arg4[%get3A_13, %get3A_14] : memref<1x64xf32, #tpu.memory_space<vmem>>, vector<1x64xf32>
    %add3A_16 = vector.broadcast %get3A_15 : vector<1x64xf32> to vector<10000x64xf32>
    %add3A_17 = arith.addf %mul3A_12, %add3A_16 : vector<10000x64xf32>
    %max3A = arith.constant 0.000000e+00 : f32
    %max3A_18 = vector.broadcast %max3A : f32 to vector<10000x64xf32>
    %max3A_19 = arith.maximumf %add3A_17, %max3A_18 : vector<10000x64xf32>
    %get3A_20 = arith.constant 0 : index
    %get3A_21 = arith.constant 0 : index
    %get3A_22 = vector.load %arg5[%get3A_20, %get3A_21] : memref<64x32xf32, #tpu.memory_space<vmem>>, vector<64x32xf32>
    %dot_general3A = arith.constant dense<0.000000e+00> : vector<10000x32xf32>
    %dot_general3A_23 = tpu.matmul %max3A_19, %get3A_22, %dot_general3A {dimension_numbers = #tpu.dot_dimension_numbers<[1], [0], [0], [1], [0, 0, 1, 1], [], []>, transpose_lhs_hint = false} : vector<10000x64xf32>, vector<64x32xf32>, vector<10000x32xf32> -> vector<10000x32xf32>
    %get3A_24 = arith.constant 0 : index
    %get3A_25 = arith.constant 0 : index
    %get3A_26 = vector.load %arg6[%get3A_24, %get3A_25] : memref<1x32xf32, #tpu.memory_space<vmem>>, vector<1x32xf32>
    %add3A_27 = vector.broadcast %get3A_26 : vector<1x32xf32> to vector<10000x32xf32>
    %add3A_28 = arith.addf %dot_general3A_23, %add3A_27 : vector<10000x32xf32>
    %max3A_29 = arith.constant 0.000000e+00 : f32
    %max3A_30 = vector.broadcast %max3A_29 : f32 to vector<10000x32xf32>
    %max3A_31 = arith.maximumf %add3A_28, %max3A_30 : vector<10000x32xf32>
    %get3A_32 = arith.constant 0 : index
    %get3A_33 = arith.constant 0 : index
    %get3A_34 = vector.load %arg7[%get3A_32, %get3A_33] : memref<32x16xf32, #tpu.memory_space<vmem>>, vector<32x16xf32>
    %dot_general3A_35 = arith.constant dense<0.000000e+00> : vector<10000x16xf32>
    %dot_general3A_36 = tpu.matmul %max3A_31, %get3A_34, %dot_general3A_35 {dimension_numbers = #tpu.dot_dimension_numbers<[1], [0], [0], [1], [0, 0, 1, 1], [], []>, transpose_lhs_hint = false} : vector<10000x32xf32>, vector<32x16xf32>, vector<10000x16xf32> -> vector<10000x16xf32>
    %get3A_37 = arith.constant 0 : index
    %get3A_38 = arith.constant 0 : index
    %get3A_39 = vector.load %arg8[%get3A_37, %get3A_38] : memref<1x16xf32, #tpu.memory_space<vmem>>, vector<1x16xf32>
    %add3A_40 = vector.broadcast %get3A_39 : vector<1x16xf32> to vector<10000x16xf32>
    %add3A_41 = arith.addf %dot_general3A_36, %add3A_40 : vector<10000x16xf32>
    %max3A_42 = arith.constant 0.000000e+00 : f32
    %max3A_43 = vector.broadcast %max3A_42 : f32 to vector<10000x16xf32>
    %max3A_44 = arith.maximumf %add3A_41, %max3A_43 : vector<10000x16xf32>
    %get3A_45 = arith.constant 0 : index
    %get3A_46 = arith.constant 0 : index
    %get3A_47 = vector.load %arg9[%get3A_45, %get3A_46] : memref<16x4xf32, #tpu.memory_space<vmem>>, vector<16x4xf32>
    %dot_general3A_48 = arith.constant dense<0.000000e+00> : vector<10000x4xf32>
    %dot_general3A_49 = tpu.matmul %max3A_44, %get3A_47, %dot_general3A_48 {dimension_numbers = #tpu.dot_dimension_numbers<[1], [0], [0], [1], [0, 0, 1, 1], [], []>, transpose_lhs_hint = false} : vector<10000x16xf32>, vector<16x4xf32>, vector<10000x4xf32> -> vector<10000x4xf32>
    %get3A_50 = arith.constant 0 : index
    %get3A_51 = arith.constant 0 : index
    %get3A_52 = vector.load %arg10[%get3A_50, %get3A_51] : memref<1x4xf32, #tpu.memory_space<vmem>>, vector<1x4xf32>
    %add3A_53 = vector.broadcast %get3A_52 : vector<1x4xf32> to vector<10000x4xf32>
    %add3A_54 = arith.addf %dot_general3A_49, %add3A_53 : vector<10000x4xf32>
    %reduce_max3A = arith.constant dense<0xFF800000> : vector<10000xf32>
    %reduce_max3A_55 = vector.multi_reduction <maximumf>, %add3A_54, %reduce_max3A [1] : vector<10000x4xf32> to vector<10000xf32>
    %broadcast_in_dim3A = vector.shape_cast %reduce_max3A_55 : vector<10000xf32> to vector<10000x1xf32>
    %sub3A = vector.broadcast %broadcast_in_dim3A : vector<10000x1xf32> to vector<10000x4xf32>
    %sub3A_56 = arith.subf %add3A_54, %sub3A : vector<10000x4xf32>
    %exp3A = math.exp %sub3A_56 : vector<10000x4xf32>
    %reduce_sum3A = arith.constant dense<0.000000e+00> : vector<10000xf32>
    %reduce_sum3A_57 = vector.multi_reduction <add>, %exp3A, %reduce_sum3A [1] : vector<10000x4xf32> to vector<10000xf32>
    %broadcast_in_dim3A_58 = vector.shape_cast %reduce_sum3A_57 : vector<10000xf32> to vector<10000x1xf32>
    %log3A = math.log %broadcast_in_dim3A_58 : vector<10000x1xf32>
    %add3A_59 = arith.addf %log3A, %broadcast_in_dim3A : vector<10000x1xf32>
    %sub3A_60 = vector.broadcast %add3A_59 : vector<10000x1xf32> to vector<10000x4xf32>
    %sub3A_61 = arith.subf %add3A_54, %sub3A_60 : vector<10000x4xf32>
    %swap3A = arith.constant 0 : index
    %swap3A_62 = arith.constant 0 : index
    %swap3A_63 = vector.load %arg11[%swap3A, %swap3A_62] : memref<10000x4xf32, #tpu.memory_space<vmem>>, vector<10000x4xf32>
    tpu.vector_store %arg11[%swap3A, %swap3A_62], %sub3A_61 {strides = array<i32>} : memref<10000x4xf32, #tpu.memory_space<vmem>>, vector<10000x4xf32>,
    return
  }
}

</mosaic_0001>

<sc_bundles>
// kernel: kernel.11.cloned.1.call-start
scs
__scs_entry_jumppad:
0x0: {  	(pc) =	sbr.rel $0x88, $3  }
0x1: {  	(tag) =	ssettag $0x0;
	lr =	simm.s32 $0x1  }
0x2: {  	[smem:$0x3F96] =	sst lr;
	_ =	strace $0xD0000000  }
0x3: {  	_ = 	snop  }
0x4: {  	_ = 	snop  }
0x5: {  	_ = 	snop  }
0x6: {  	_ = 	snop  }
0x7: {  	_ = 	snop  }
__scs_overlays_trampoline_lowered:
0x8: {  	[smem:$0x3FA5] =	sst s0  }
0x9: {  	[smem:$0x3FA6] =	sst s1  }
0xa: {  	[smem:$0x3FA7] =	sst s2  }
0xb: {  	[smem:$0x3FA8] =	sst s3  }
0xc: {  	[smem:$0x3FA9] =	sst s4  }
0xd: {  	[smem:$0x3FAA] =	sst s5  }
0xe: {  	[smem:$0x3FAB] =	sst s6  }
0xf: {  	[smem:$0x3FAC] =	sst s7  }
0x10: {  	[smem:$0x3FAD] =	sst s8  }
0x11: {  	[smem:$0x3FAE] =	sst s9;
	s0 =	simm.s32 @!p0 $0x0  }
0x12: {  	s1 =	sld [smem:$0x3F94];
	s0 =	simm.s32 @p0 $0x1  }
0x13: {  	[smem:$0x3FAF] =	sst s0;
	s0 =	simm.s32 @!p1 $0x0  }
0x14: {  	s2 =	sld [smem:$0x3F93];
	s0 =	simm.s32 @p1 $0x1  }
0x15: {  	[smem:$0x3FB0] =	sst s0;
	s0 =	simm.s32 @!p2 $0x0  }
0x16: {  	s3 =	sld [smem:$0x3FDB];
	s0 =	simm.s32 @p2 $0x1  }
0x17: {  	s4 =	simm.s32 $0x1BF5;
	[smem:$0x3FB2] =	sst s0  }
0x18: {  	s0 =	sld [smem:$0x3F95];
	_ =	swait.ge [sflag:s4], $0x0  }
0x19: {  	s7 =	sld [smem:$0x3F96]  }
0x1a: {  	s8 =	sadd.s32 $0xFFFFE003, lr  }
0x1b: {  	s9 =	sadd.s32 $0xFFFFFEF7, lr;
	s5 =	simm.s32 $0xFFFFFFFF;
	p2 =	slt.u32 s8, $0xFFFFF086  }
0x1c: {  	p1 =	slt.u32 s9, $0xF7A;
	s5 =	simm.s32 @!p2 $0x0  }
0x1d: {  	s5 =	simm.s32 @p1 $0x1;
	p0 =	seq.s32 s7, s2  }
0x1e: {  	s7 =	smul.u32 @!p0 $0xF7A, s2;
	p2 =	seq.s32 @!p0 s5, $0x0  }
0x1f: {  	s9 =	smul.u32 $0xF7A, s1;
	s8 =	simm.s32 @!p0 $0x1BF5;
	p2 =	por !p2, p0  }
0x20: {  	[sflag:s8] =	ssyncset.s32 @!p0 $0xFFFFF086;
	s6 =	sadd.s32 @!p0 s3, s7;
	s7 =	simm.s32 @!p0 $0x108  }
0x21: {  	s3 =	sadd.s32 s3, s9;
	s6 =	sadd.s32 @!p0 $0x88, s6;
	s7 =	simm.s32 @p2 $0x1082  }
0x22: {  	[simem:s7], [sflag:s8] =	dma.local @!p0 [hbm:s6], $0xF7A  }
0x23: {  	s9 =	sor.u32 $0xD0000000, s2;
	s6 =	simm.s32 $0x108;
	_ =	swait.ge @!p0 [sflag:s8], $0x0  }
0x24: {  	s3 =	sadd.s32 $0x88, s3;
	s6 =	simm.s32 @!p1 $0x1082;
	[sflag:s4] =	ssyncset.s32 $0xFFFFF086  }
0x25: {  	[simem:s6], [sflag:s4] =	dma.local [hbm:s3], $0xF7A  }
0x26: {  	[smem:$0x3F96] =	sst s1;
	(tag) =	ssettag s2;
	_ =	strace s9  }
0x27: {  	s1 =	sld [smem:$0x3FA6]  }
0x28: {  	s2 =	sld [smem:$0x3FA7]  }
0x29: {  	s4 =	sld [smem:$0x3FA9]  }
0x2a: {  	p0 =	seq.s32 s5, $0x0;
	s5 =	sld [smem:$0x3FAA]  }
0x2b: {  	s6 =	sld [smem:$0x3FAB]  }
0x2c: {  	s7 =	sld [smem:$0x3FAC]  }
0x2d: {  	s3 =	simm.s32 $0x108;
	s8 =	sld [smem:$0x3FAD]  }
0x2e: {  	s3 =	simm.s32 @!p0 $0x1082;
	s9 =	sld [smem:$0x3FAE]  }
0x2f: {  	lr =	sadd.s32 s0, s3;
	s0 =	sld [smem:$0x3FA5]  }
0x30: {  	s3 =	sld [smem:$0x3FA8]  }
0x31: {  	[smem:$0x3FB1] =	sst s10  }
0x32: {  	s10 =	sld [smem:$0x3FAF];
	_ =	sdelay $0x3  }
0x33: {  	p0 =	seq.s32 s10, $0x1;
	s10 =	sld [smem:$0x3FB1];
	_ =	sdelay $0x3  }
0x34: {  	[smem:$0x3FB1] =	sst s10  }
0x35: {  	s10 =	sld [smem:$0x3FB0];
	_ =	sdelay $0x3  }
0x36: {  	p1 =	seq.s32 s10, $0x1;
	s10 =	sld [smem:$0x3FB1];
	_ =	sdelay $0x3  }
0x37: {  	[smem:$0x3FB1] =	sst s10  }
0x38: {  	s10 =	sld [smem:$0x3FB2]  }
0x39: {  	_ = 	snop;
	(pc) =	sbr.ind lr, $3  }
0x3a: {  	_ = 	snop  }
0x3b: {  	_ = 	snop  }
0x3c: {  	p2 =	seq.s32 s10, $0x1;
	s10 =	sld [smem:$0x3FB1]  }
0x3d: {  	_ =	shalt  }
0x3e: {  	_ =	shalt  }
0x3f: {  	_ =	shalt  }
0x40: {  	_ =	shalt  }
0x41: {  	_ =	shalt  }
0x42: {  	_ =	shalt  }
0x43: {  	_ =	shalt  }
0x44: {  	_ =	shalt  }
0x45: {  	_ =	shalt  }
0x46: {  	_ =	shalt  }
0x47: {  	_ =	shalt  }
0x48: {  	_ =	shalt  }
0x49: {  	_ =	shalt  }
0x4a: {  	_ =	shalt  }
0x4b: {  	_ =	shalt  }
0x4c: {  	_ =	shalt  }
0x4d: {  	_ =	shalt  }
0x4e: {  	_ =	shalt  }
0x4f: {  	_ =	shalt  }
0x50: {  	_ =	shalt  }
0x51: {  	_ =	shalt  }
0x52: {  	_ =	shalt  }
0x53: {  	_ =	shalt  }
0x54: {  	_ =	shalt  }
0x55: {  	_ =	shalt  }
0x56: {  	_ =	shalt  }
0x57: {  	_ =	shalt  }
0x58: {  	_ =	shalt  }
0x59: {  	_ =	shalt  }
0x5a: {  	_ =	shalt  }
0x5b: {  	_ =	shalt  }
0x5c: {  	_ =	shalt  }
0x5d: {  	_ =	shalt  }
0x5e: {  	_ =	shalt  }
0x5f: {  	_ =	shalt  }
0x60: {  	_ =	shalt  }
0x61: {  	_ =	shalt  }
0x62: {  	_ =	shalt  }
0x63: {  	_ =	shalt  }
0x64: {  	_ =	shalt  }
0x65: {  	_ =	shalt  }
0x66: {  	_ =	shalt  }
0x67: {  	_ =	shalt  }
0x68: {  	_ =	shalt  }
0x69: {  	_ =	shalt  }
0x6a: {  	_ =	shalt  }
0x6b: {  	_ =	shalt  }
0x6c: {  	_ =	shalt  }
0x6d: {  	_ =	shalt  }
0x6e: {  	_ =	shalt  }
0x6f: {  	_ =	shalt  }
0x70: {  	_ =	shalt  }
0x71: {  	_ =	shalt  }
0x72: {  	_ =	shalt  }
0x73: {  	_ =	shalt  }
0x74: {  	_ =	shalt  }
0x75: {  	_ =	shalt  }
0x76: {  	_ =	shalt  }
0x77: {  	_ =	shalt  }
0x78: {  	_ =	shalt  }
0x79: {  	_ =	shalt  }
0x7a: {  	_ =	shalt  }
0x7b: {  	_ =	shalt  }
0x7c: {  	_ =	shalt  }
0x7d: {  	_ =	shalt  }
0x7e: {  	_ =	shalt  }
0x7f: {  	_ =	shalt  }
0x80: {  	_ =	shalt  }
0x81: {  	_ =	shalt  }
0x82: {  	_ =	shalt  }
0x83: {  	_ =	shalt  }
0x84: {  	_ =	shalt  }
0x85: {  	_ =	shalt  }
0x86: {  	_ =	shalt  }
0x87: {  	_ =	shalt  }
.Lfunc_end0:
.L_simem_size_0:
called_computation.1_lowered:
.L_overlay_start_0:
0x88: {  	s2 =	sld [smem:$0x3FD9]  }
0x89: {  	s3 =	sld [smem:$0x3FFE];
	_ =	sdelay $0x1  }
0x8a: {  	s1 =	srdreg.scid  }
0x8b: {  	s0 =	sand.u32 $0x1, s1  }
0x8c: {  	s16 =	sshll.u32 s0, $0xA;
	s2 =	sadd.s32 s3, s2  }
0x8d: {  	s2 =	sadd.s32 s2, s16  }
0x8e: {  	[smem:$0x3FBD] =	sst s2  }
0x8f: {  	_ = 	snop  }
0x90: {  	(tm) =	ssettm $0x1  }
0x91: {  	s17 =	sld [smem:$0x3FFB];
	_ =	sdelay $0x3  }
0x92: {  	_ =	strace s17  }
0x93: {  	s2 =	sld [smem:$0x3FFC];
	_ =	sdelay $0x3  }
0x94: {  	_ =	strace s2  }
0x95: {  	s2 =	sld [smem:$0x3FFD];
	_ =	sdelay $0x3  }
0x96: {  	_ =	strace s2  }
0x97: {  	_ =	strace $0x8FFFFFFF  }
0x98: {  	s18 =	sld [smem:$0x3FDB];
	_ =	sdelay $0x1  }
0x99: {  	s19 =	simm.s32 $_scs_section_size  }
0x9a: {  	s4 =	simm.s32 $_size__tile_overlayer_lowered;
	s5 =	simm.s32 $_tile_overlayer_lowered  }
0x9b: {  	s22 =	simm.s32 $0x1BFF;
	s21 =	sshll.u32 s5, $0x1;
	s2 =	sadd.s32 s19, s18  }
0x9c: {  	s6 =	simm.s32 $0x0;
	s20 =	sshll.u32 s4, $0x1;
	s4 =	sadd.s32 s21, s2  }
0x9d: {  	[timem:s6], [sflag:s22] =	dma.local [hbm:s4], s20  }
0x9e: {  	_ =	swait.ge [sflag:s22], s20  }
0x9f: {  	s3 =	ssub.s32 $0x0, s20;
	[sflag:s22] =	ssyncset.done $0x0  }
0xa0: {  	[sflag:s22] =	ssyncadd.s32 s3;
	_ =	sdelay $0x1  }
0xa1: {  	s23 =	simm.s32 $0x1B8B  }
0xa2: {  	_ =	swait.ge [sflag:s23], $0x1  }
0xa3: {  	[sflag:s23] =	ssyncset.done $0x0  }
0xa4: {  	s25 =	simm.s32 $0x1B8E;
	s24 =	sld [smem:$0x3FFE];
	[sflag:s23] =	ssyncadd.s32 $0xFFFFFFFF  }
0xa5: {  	s26 =	simm.s32 $execute0_lowered;
	[smem:$0x3FD2] =	sst s25  }
0xa6: {  	s4 =	sshll.u32 s26, $0x1;
	_ =	strace $0x80000049;
	[dreg:$0x1] =	wrdreg $0xFFFFFFFF  }
0xa7: {  	s28 =	simm.s32 $_size_execute0_lowered;
	s2 =	sadd.s32 s2, s4;
	[dreg:$0x0] =	wrdreg $0x0  }
0xa8: {  	s4 =	sshll.u32 s28, $0x1;
	[dreg:$0x2] =	wrdreg s2  }
0xa9: {  	[dreg:$0x3] =	wrdreg s4  }
0xaa: {  	[dreg:$0x4] =	wrdreg $0xC0  }
0xab: {  	_ =	task [dreg:s6], $0x5FFFF  }
0xac: {  	[dreg:$0x1] =	wrdreg $0xFFFFFFFF  }
0xad: {  	[dreg:$0x0] =	wrdreg $0x60  }
0xae: {  	[dreg:$0x2] =	wrdreg s24  }
0xaf: {  	[dreg:$0x3] =	wrdreg $0x40800  }
0xb0: {  	[dreg:$0x4] =	wrdreg $0x9  }
0xb1: {  	_ =	task.clear_ibuf [dreg:s6], $0x5FFFF;
	_ =	strace $0x90000049  }
0xb2: {  	s29 =	simm.s32 $0x9;
	_ =	strace $0x8000004B  }
0xb3: {  	_ =	swait.ge [sflag:s29], $0x1  }
0xb4: {  	[sflag:s29] =	ssyncadd.s32 $0xFFFFFFFF  }
0xb5: {  	_ =	strace $0x9000004B  }
0xb6: {  	_ =	sfence  }
0xb7: {  	s30 =	sld [smem:$0x0];
	_ =	sdelay $0x2  }
0xb8: {  	s31 =	sshll.u32 s1, $0xD;
	s1 =	sshrl.u32 s1, $0x2  }
0xb9: {  	s3 =	sand.u32 $0x4000, s31;
	s1 =	sadd.s32 s1, s30  }
0xba: {  	s0 =	sor.u32 s3, s0;
	s1 =	sshll.u32 s1, $0x11  }
0xbb: {  	s0 =	sor.u32 s1, s0  }
0xbc: {  	s0 =	sadd.s32 $0x8F2B, s0  }
0xbd: {  	[sflag:s0] =	ssyncadd.remote.s32 $0x1  }
0xbe: {  	_ =	sfence.sel $0xFFFF  }
0xbf: {  	[dreg:$0x0] =	wrdreg $0xFFFFFFFF;
	(pc) =	sbr.abs _section_cstart, $3  }
0xc0: {  	[dreg:$0x1] =	wrdreg $0xFFFFFFFF  }
0xc1: {  	_ =	task.clear_ibuf [dreg:s6], $0x2FFFF;
	_ =	strace $0x9FFFFFFF  }
0xc2: {  	(tm) =	ssettm $0x7FFFFFFF  }
0xc3: {  	_ =	shalt  }
tec
execute0_lowered:
.L_overlay_start_1:
0x0: {  	(tag) =	ssettag $0x1  }
0x1: {  	s4 =	rddreg [dreg:$0x0];
	s0 =	stileid.u32  }
0x2: {  	s1 =	srdreg.scid;
	s5 =	smul.u32 $0x5000, s0  }
0x3: {  	s2 =	rddreg [dreg:$0x1];
	s24 =	smul.u32 $0x50000, s0  }
0x4: {  	s3 =	simm.s32 $0x0;
	s20 =	simm.s32 $0x0;
	s13 =	smul.u32 $0x280, s0  }
0x5: {  	s11 =	sand.u32 $0x1, s1;
	s1 =	rddreg [dreg:$0x2];
	s7 =	smul.u32 $0x2800, s0  }
0x6: {  	[smem:$0x7FF] =	sst s3;
	s12 =	sadd.s32 $0x6F800, s4;
	s6 =	smul.u32 $0x2800, s11  }
0x7: {  	_ =	strace $0x8000004A;
	s25 =	ssub.s32 $0x2, s11;
	s19 =	smul.u32 $0x28000, s11  }
0x8: {  	s15 =	sadd.s32 s24, s4;
	s26 =	sshrl.u32 s25, $0x1;
	s28 =	sshrl.u32 s24, $0x2  }
0x9: {  	s8 =	sadd.s32 $0x80, s13;
	s9 =	sadd.s32 $0x100, s13;
	s17 =	sadd.s32 $0x180, s13  }
0xa: {  	s13 =	sadd.s32 $0x200, s13;
	s5 =	sadd.s32 s6, s5;
	s14 =	ssub.s32 s25, s26  }
0xb: {  	s29 =	sshll.u32 s8, $0x4;
	s30 =	sshll.u32 s8, $0x7;
	s31 =	sshll.u32 s9, $0x4  }
0xc: {  	s9 =	sshll.u32 s9, $0x7;
	s10 =	sshll.u32 s17, $0x4;
	s17 =	sshll.u32 s17, $0x7  }
0xd: {  	s18 =	sshll.u32 s13, $0x4;
	s13 =	sshll.u32 s13, $0x7;
	s15 =	sadd.s32 s19, s15  }
0xe: {  	s19 =	simm.s32 $0x1;
	s5 =	sshrl.u32 s5, $0x3;
	s6 =	sadd.s32 s12, s29  }
0xf: {  	s8 =	sadd.s32 s12, s31;
	s9 =	sadd.s32 s9, s2;
	s10 =	sadd.s32 s12, s10  }
0x10: {  	s11 =	sadd.s32 s17, s2;
	s13 =	sadd.s32 s13, s2;
	s14 =	smax.u32 s14, $0x1  }
0x11: {  	s15 =	sadd.s32 $0x57B400, s15;
	s17 =	simm.s32 $0x80;
	s16 =	sadd.s32 s5, s4  }
0x12: {  	s4 =	sadd.s32 s12, s7;
	s5 =	sadd.s32 s28, s2;
	s7 =	sadd.s32 s30, s2  }
0x13: {  	s12 =	sadd.s32 s12, s18;
	s18 =	simm.s32 $0x2;
	s16 =	sadd.s32 $0x571400, s16  }
.LBB2_1:
0x14: {  	[tilespmem:s17], [sflag:$0x2] =	stream.linear.gather [hbm4b:s4+s3], $0x4000, $0x38;
	[tilespmem:$0x18080] =	vst v63  }
0x15: {  	_ =	swait.ge [sflag:s18], $0x4000  }
0x16: {  	[sflag:s18] =	ssyncset.done $0x0  }
0x17: {  	[sflag:s18] =	ssyncadd.s32 $0xFFFFC000  }
0x18: {  	[spmem:s5] =	stream.linear.scatter [tilespmem:s17], [sflag:$0x2], $0x4000, $0x38;
	[tilespmem:$0x18080] =	vst v63  }
0x19: {  	_ =	swait.ge [sflag:s18], $0x4000  }
0x1a: {  	[sflag:s18] =	ssyncset.done $0x0  }
0x1b: {  	[sflag:s18] =	ssyncadd.s32 $0xFFFFC000  }
0x1c: {  	[tilespmem:s17], [sflag:$0x2] =	stream.linear.gather [hbm4b:s6+s3], $0x4000, $0x38;
	[tilespmem:$0x18080] =	vst v63  }
0x1d: {  	_ =	swait.ge [sflag:s18], $0x4000  }
0x1e: {  	[sflag:s18] =	ssyncset.done $0x0  }
0x1f: {  	[sflag:s18] =	ssyncadd.s32 $0xFFFFC000  }
0x20: {  	[spmem:s7] =	stream.linear.scatter [tilespmem:s17], [sflag:$0x2], $0x4000, $0x38;
	[tilespmem:$0x18080] =	vst v63  }
0x21: {  	_ =	swait.ge [sflag:s18], $0x4000  }
0x22: {  	[sflag:s18] =	ssyncset.done $0x0  }
0x23: {  	[sflag:s18] =	ssyncadd.s32 $0xFFFFC000  }
0x24: {  	[tilespmem:s17], [sflag:$0x2] =	stream.linear.gather [hbm4b:s8+s3], $0x4000, $0x38;
	[tilespmem:$0x18080] =	vst v63  }
0x25: {  	_ =	swait.ge [sflag:s18], $0x4000  }
0x26: {  	[sflag:s18] =	ssyncset.done $0x0  }
0x27: {  	[sflag:s18] =	ssyncadd.s32 $0xFFFFC000  }
0x28: {  	[spmem:s9] =	stream.linear.scatter [tilespmem:s17], [sflag:$0x2], $0x4000, $0x38;
	[tilespmem:$0x18080] =	vst v63  }
0x29: {  	_ =	swait.ge [sflag:s18], $0x4000  }
0x2a: {  	[sflag:s18] =	ssyncset.done $0x0  }
0x2b: {  	[sflag:s18] =	ssyncadd.s32 $0xFFFFC000  }
0x2c: {  	[tilespmem:s17], [sflag:$0x2] =	stream.linear.gather [hbm4b:s10+s3], $0x4000, $0x38;
	[tilespmem:$0x18080] =	vst v63  }
0x2d: {  	_ =	swait.ge [sflag:s18], $0x4000  }
0x2e: {  	[sflag:s18] =	ssyncset.done $0x0  }
0x2f: {  	[sflag:s18] =	ssyncadd.s32 $0xFFFFC000  }
0x30: {  	[spmem:s11] =	stream.linear.scatter [tilespmem:s17], [sflag:$0x2], $0x4000, $0x38;
	[tilespmem:$0x18080] =	vst v63  }
0x31: {  	_ =	swait.ge [sflag:s18], $0x4000  }
0x32: {  	[sflag:s18] =	ssyncset.done $0x0  }
0x33: {  	[sflag:s18] =	ssyncadd.s32 $0xFFFFC000  }
0x34: {  	[tilespmem:s17], [sflag:$0x2] =	stream.linear.gather [hbm4b:s12+s3], $0x4000, $0x38;
	[tilespmem:$0x18080] =	vst v63  }
0x35: {  	_ =	swait.ge [sflag:s18], $0x4000  }
0x36: {  	[sflag:s18] =	ssyncset.done $0x0  }
0x37: {  	[sflag:s18] =	ssyncadd.s32 $0xFFFFC000  }
0x38: {  	[spmem:s13] =	stream.linear.scatter [tilespmem:s17], [sflag:$0x2], $0x4000, $0x38;
	[tilespmem:$0x18080] =	vst v63  }
0x39: {  	_ =	swait.ge [sflag:s18], $0x4000  }
0x3a: {  	[sflag:s18] =	ssyncset.done $0x0  }
0x3b: {  	[sflag:s18] =	ssyncadd.s32 $0xFFFFC000  }
0x3c: {  	s21 =	sadd.s32 $0x0, s16;
	[bflag:$0x0] =	sbarrier.arrive $0xFFFF  }
0x3d: {  	[tilespmem:s3], [sflag:$0x2] =	stream.linear.gather [hbm4b:s21+s3], $0x80, $0x38;
	[tilespmem:$0x18080] =	vst v63  }
0x3e: {  	_ =	swait.ge [sflag:s18], $0x80  }
0x3f: {  	[sflag:s18] =	ssyncset.done $0x0  }
0x40: {  	[sflag:s18] =	ssyncadd.s32 $0xFFFFFF80  }
0x41: {  	[tilespmem:s17], [sflag:$0x1] =	stream.indirect.gather [spmem:s2], $0x80, s3, s17, $0xb8;
	[tilespmem:$0x18080] =	vst v63  }
0x42: {  	_ =	swait.ge [sflag:s19], $0x4000  }
0x43: {  	[sflag:s19] =	ssyncset.done $0x0  }
0x44: {  	[sflag:s19] =	ssyncadd.s32 $0xFFFFC000  }
0x45: {  	[hbm4b:s15+s3] =	stream.linear.scatter [tilespmem:s17], [sflag:$0x2], $0x4000, $0x38;
	[tilespmem:$0x18080] =	vst v63  }
0x46: {  	s22 =	simm.s32 $0x10;
	_ =	swait.ge [sflag:s18], $0x4000  }
0x47: {  	s23 =	simm.s32 $0x20;
	s21 =	sadd.s32 $0x800, s15;
	[sflag:s18] =	ssyncset.done $0x0  }
.LBB2_2:
0x48: {  	s24 =	sadd.s32 s22, s16  }
0x49: {  	[sflag:s18] =	ssyncadd.s32 $0xFFFFC000;
	s22 =	smov.u32 s23;
	s25 =	sadd.s32 $0x10, s23  }
0x4a: {  	[tilespmem:s3], [sflag:$0x2] =	stream.linear.gather [hbm4b:s24+s3], $0x80, $0x38;
	[tilespmem:$0x18080] =	vst v63  }
0x4b: {  	p0 =	sne.s32 s23, $0x4F0;
	_ =	swait.ge [sflag:s18], $0x80  }
0x4c: {  	[sflag:s18] =	ssyncset.done $0x0  }
0x4d: {  	[sflag:s18] =	ssyncadd.s32 $0xFFFFFF80  }
0x4e: {  	[tilespmem:s17], [sflag:$0x1] =	stream.indirect.gather [spmem:s2], $0x80, s3, s17, $0xb8;
	[tilespmem:$0x18080] =	vst v63  }
0x4f: {  	_ =	swait.ge [sflag:s19], $0x4000  }
.Ltmp0:
0x50: {  	[sflag:s19] =	ssyncset.done $0x0;
	(pc) =	sbr.rel @p0 .LBB2_2-.Ltmp0, $4  }
0x51: {  	[sflag:s19] =	ssyncadd.s32 $0xFFFFC000  }
0x52: {  	[hbm4b:s21+s3] =	stream.linear.scatter [tilespmem:s17], [sflag:$0x2], $0x4000, $0x38;
	[tilespmem:$0x18080] =	vst v63  }
0x53: {  	_ =	swait.ge [sflag:s18], $0x4000  }
0x54: {  	s23 =	smov.u32 s25;
	s21 =	sadd.s32 $0x800, s21;
	[sflag:s18] =	ssyncset.done $0x0  }
0x55: {  	s22 =	sadd.s32 s22, s16;
	[sflag:s18] =	ssyncadd.s32 $0xFFFFC000  }
0x56: {  	[tilespmem:s3], [sflag:$0x2] =	stream.linear.gather [hbm4b:s22+s3], $0x80, $0x38;
	[tilespmem:$0x18080] =	vst v63  }
0x57: {  	_ =	swait.ge [sflag:s18], $0x80  }
0x58: {  	[sflag:s18] =	ssyncset.done $0x0  }
0x59: {  	[sflag:s18] =	ssyncadd.s32 $0xFFFFFF80  }
0x5a: {  	[tilespmem:s17], [sflag:$0x1] =	stream.indirect.gather [spmem:s2], $0x80, s3, s17, $0xb8;
	[tilespmem:$0x18080] =	vst v63  }
0x5b: {  	s20 =	sadd.s32 $0x1, s20;
	_ =	swait.ge [sflag:s19], $0x4000  }
0x5c: {  	p0 =	sne.s32 s20, s14;
	[sflag:s19] =	ssyncset.done $0x0  }
.Ltmp1:
0x5d: {  	[sflag:s19] =	ssyncadd.s32 $0xFFFFC000;
	(pc) =	sbr.rel @p0 .LBB2_1-.Ltmp1, $4  }
0x5e: {  	[hbm4b:s21+s3] =	stream.linear.scatter [tilespmem:s17], [sflag:$0x2], $0x4000, $0x38;
	[tilespmem:$0x18080] =	vst v63  }
0x5f: {  	_ =	swait.ge [sflag:s18], $0x4000  }
0x60: {  	[sflag:s18] =	ssyncset.done $0x0  }
0x61: {  	[sflag:s18] =	ssyncadd.s32 $0xFFFFC000  }
0x62: {  	_ =	sfence.sel $0x180000  }
0x63: {  	[bflag:$0x0] =	sbarrier.arrive $0xFFFF  }
0x64: {  	p0 =	sne.s32 s0, $0x0;
	_ =	strace $0x9000004A  }
0x65: {  	s0 =	sadd.s32 @!p0 $0x100000, s1;
	[bflag:$0x2] =	sbarrier.arrive $0xFFFF  }
0x66: {  	[sflag:s0] =	ssyncadd.tile.s32 @!p0 $0x1;
	_ =	shalt  }
.Lfunc_end2:
_tile_overlayer_lowered:
.L_overlay_start_2:
0x67: {  	(tag) =	ssettag $0x2  }
0x68: {  	s0 =	rddreg [dreg:$0x0];
	s2 =	stileid.u32  }
0x69: {  	s1 =	rddreg [dreg:$0x1];
	p0 =	sne.s32 s2, $0x0  }
0x6a: {  	s3 =	rddreg [dreg:$0x2];
	[bflag:$0x3] =	sbarrier.arrive $0xFFFF;
	s2 =	simm.s32 @!p0 $0x1C02  }
0x6b: {  	[timem:s3], [sflag:s2] =	dma.local @!p0 [hbm:s0], s1  }
0x6c: {  	s0 =	simm.s32 @!p0 $0x2  }
0x6d: {  	_ =	swait.ge @!p0 [sflag:s0], s1  }
0x6e: {  	s1 =	ssub.s32 @!p0 $0x0, s1;
	[sflag:s0] =	ssyncset.done @!p0 $0x0  }
0x6f: {  	[sflag:s0] =	ssyncadd.s32 @!p0 s1  }
0x70: {  	[bflag:$0x3] =	sbarrier.arrive $0xFFFF  }
0x71: {  	_ =	shalt  }

// kernel: kernel.14.cloned.1.call-start
scs
__scs_entry_jumppad:
0x0: {  	(pc) =	sbr.rel $0x88, $3  }
0x1: {  	(tag) =	ssettag $0x0;
	lr =	simm.s32 $0x1  }
0x2: {  	[smem:$0x3F96] =	sst lr;
	_ =	strace $0xD0000000  }
0x3: {  	_ = 	snop  }
0x4: {  	_ = 	snop  }
0x5: {  	_ = 	snop  }
0x6: {  	_ = 	snop  }
0x7: {  	_ = 	snop  }
__scs_overlays_trampoline_lowered:
0x8: {  	[smem:$0x3FA5] =	sst s0  }
0x9: {  	[smem:$0x3FA6] =	sst s1  }
0xa: {  	[smem:$0x3FA7] =	sst s2  }
0xb: {  	[smem:$0x3FA8] =	sst s3  }
0xc: {  	[smem:$0x3FA9] =	sst s4  }
0xd: {  	[smem:$0x3FAA] =	sst s5  }
0xe: {  	[smem:$0x3FAB] =	sst s6  }
0xf: {  	[smem:$0x3FAC] =	sst s7  }
0x10: {  	[smem:$0x3FAD] =	sst s8  }
0x11: {  	[smem:$0x3FAE] =	sst s9;
	s0 =	simm.s32 @!p0 $0x0  }
0x12: {  	s1 =	sld [smem:$0x3F94];
	s0 =	simm.s32 @p0 $0x1  }
0x13: {  	[smem:$0x3FAF] =	sst s0;
	s0 =	simm.s32 @!p1 $0x0  }
0x14: {  	s2 =	sld [smem:$0x3F93];
	s0 =	simm.s32 @p1 $0x1  }
0x15: {  	[smem:$0x3FB0] =	sst s0;
	s0 =	simm.s32 @!p2 $0x0  }
0x16: {  	s3 =	sld [smem:$0x3FDB];
	s0 =	simm.s32 @p2 $0x1  }
0x17: {  	s4 =	simm.s32 $0x1BF5;
	[smem:$0x3FB2] =	sst s0  }
0x18: {  	s0 =	sld [smem:$0x3F95];
	_ =	swait.ge [sflag:s4], $0x0  }
0x19: {  	s7 =	sld [smem:$0x3F96]  }
0x1a: {  	s8 =	sadd.s32 $0xFFFFE003, lr  }
0x1b: {  	s9 =	sadd.s32 $0xFFFFFEF7, lr;
	s5 =	simm.s32 $0xFFFFFFFF;
	p2 =	slt.u32 s8, $0xFFFFF086  }
0x1c: {  	p1 =	slt.u32 s9, $0xF7A;
	s5 =	simm.s32 @!p2 $0x0  }
0x1d: {  	s5 =	simm.s32 @p1 $0x1;
	p0 =	seq.s32 s7, s2  }
0x1e: {  	s7 =	smul.u32 @!p0 $0xF7A, s2;
	p2 =	seq.s32 @!p0 s5, $0x0  }
0x1f: {  	s9 =	smul.u32 $0xF7A, s1;
	s8 =	simm.s32 @!p0 $0x1BF5;
	p2 =	por !p2, p0  }
0x20: {  	[sflag:s8] =	ssyncset.s32 @!p0 $0xFFFFF086;
	s6 =	sadd.s32 @!p0 s3, s7;
	s7 =	simm.s32 @!p0 $0x108  }
0x21: {  	s3 =	sadd.s32 s3, s9;
	s6 =	sadd.s32 @!p0 $0x88, s6;
	s7 =	simm.s32 @p2 $0x1082  }
0x22: {  	[simem:s7], [sflag:s8] =	dma.local @!p0 [hbm:s6], $0xF7A  }
0x23: {  	s9 =	sor.u32 $0xD0000000, s2;
	s6 =	simm.s32 $0x108;
	_ =	swait.ge @!p0 [sflag:s8], $0x0  }
0x24: {  	s3 =	sadd.s32 $0x88, s3;
	s6 =	simm.s32 @!p1 $0x1082;
	[sflag:s4] =	ssyncset.s32 $0xFFFFF086  }
0x25: {  	[simem:s6], [sflag:s4] =	dma.local [hbm:s3], $0xF7A  }
0x26: {  	[smem:$0x3F96] =	sst s1;
	(tag) =	ssettag s2;
	_ =	strace s9  }
0x27: {  	s1 =	sld [smem:$0x3FA6]  }
0x28: {  	s2 =	sld [smem:$0x3FA7]  }
0x29: {  	s4 =	sld [smem:$0x3FA9]  }
0x2a: {  	p0 =	seq.s32 s5, $0x0;
	s5 =	sld [smem:$0x3FAA]  }
0x2b: {  	s6 =	sld [smem:$0x3FAB]  }
0x2c: {  	s7 =	sld [smem:$0x3FAC]  }
0x2d: {  	s3 =	simm.s32 $0x108;
	s8 =	sld [smem:$0x3FAD]  }
0x2e: {  	s3 =	simm.s32 @!p0 $0x1082;
	s9 =	sld [smem:$0x3FAE]  }
0x2f: {  	lr =	sadd.s32 s0, s3;
	s0 =	sld [smem:$0x3FA5]  }
0x30: {  	s3 =	sld [smem:$0x3FA8]  }
0x31: {  	[smem:$0x3FB1] =	sst s10  }
0x32: {  	s10 =	sld [smem:$0x3FAF];
	_ =	sdelay $0x3  }
0x33: {  	p0 =	seq.s32 s10, $0x1;
	s10 =	sld [smem:$0x3FB1];
	_ =	sdelay $0x3  }
0x34: {  	[smem:$0x3FB1] =	sst s10  }
0x35: {  	s10 =	sld [smem:$0x3FB0];
	_ =	sdelay $0x3  }
0x36: {  	p1 =	seq.s32 s10, $0x1;
	s10 =	sld [smem:$0x3FB1];
	_ =	sdelay $0x3  }
0x37: {  	[smem:$0x3FB1] =	sst s10  }
0x38: {  	s10 =	sld [smem:$0x3FB2]  }
0x39: {  	_ = 	snop;
	(pc) =	sbr.ind lr, $3  }
0x3a: {  	_ = 	snop  }
0x3b: {  	_ = 	snop  }
0x3c: {  	p2 =	seq.s32 s10, $0x1;
	s10 =	sld [smem:$0x3FB1]  }
0x3d: {  	_ =	shalt  }
0x3e: {  	_ =	shalt  }
0x3f: {  	_ =	shalt  }
0x40: {  	_ =	shalt  }
0x41: {  	_ =	shalt  }
0x42: {  	_ =	shalt  }
0x43: {  	_ =	shalt  }
0x44: {  	_ =	shalt  }
0x45: {  	_ =	shalt  }
0x46: {  	_ =	shalt  }
0x47: {  	_ =	shalt  }
0x48: {  	_ =	shalt  }
0x49: {  	_ =	shalt  }
0x4a: {  	_ =	shalt  }
0x4b: {  	_ =	shalt  }
0x4c: {  	_ =	shalt  }
0x4d: {  	_ =	shalt  }
0x4e: {  	_ =	shalt  }
0x4f: {  	_ =	shalt  }
0x50: {  	_ =	shalt  }
0x51: {  	_ =	shalt  }
0x52: {  	_ =	shalt  }
0x53: {  	_ =	shalt  }
0x54: {  	_ =	shalt  }
0x55: {  	_ =	shalt  }
0x56: {  	_ =	shalt  }
0x57: {  	_ =	shalt  }
0x58: {  	_ =	shalt  }
0x59: {  	_ =	shalt  }
0x5a: {  	_ =	shalt  }
0x5b: {  	_ =	shalt  }
0x5c: {  	_ =	shalt  }
0x5d: {  	_ =	shalt  }
0x5e: {  	_ =	shalt  }
0x5f: {  	_ =	shalt  }
0x60: {  	_ =	shalt  }
0x61: {  	_ =	shalt  }
0x62: {  	_ =	shalt  }
0x63: {  	_ =	shalt  }
0x64: {  	_ =	shalt  }
0x65: {  	_ =	shalt  }
0x66: {  	_ =	shalt  }
0x67: {  	_ =	shalt  }
0x68: {  	_ =	shalt  }
0x69: {  	_ =	shalt  }
0x6a: {  	_ =	shalt  }
0x6b: {  	_ =	shalt  }
0x6c: {  	_ =	shalt  }
0x6d: {  	_ =	shalt  }
0x6e: {  	_ =	shalt  }
0x6f: {  	_ =	shalt  }
0x70: {  	_ =	shalt  }
0x71: {  	_ =	shalt  }
0x72: {  	_ =	shalt  }
0x73: {  	_ =	shalt  }
0x74: {  	_ =	shalt  }
0x75: {  	_ =	shalt  }
0x76: {  	_ =	shalt  }
0x77: {  	_ =	shalt  }
0x78: {  	_ =	shalt  }
0x79: {  	_ =	shalt  }
0x7a: {  	_ =	shalt  }
0x7b: {  	_ =	shalt  }
0x7c: {  	_ =	shalt  }
0x7d: {  	_ =	shalt  }
0x7e: {  	_ =	shalt  }
0x7f: {  	_ =	shalt  }
0x80: {  	_ =	shalt  }
0x81: {  	_ =	shalt  }
0x82: {  	_ =	shalt  }
0x83: {  	_ =	shalt  }
0x84: {  	_ =	shalt  }
0x85: {  	_ =	shalt  }
0x86: {  	_ =	shalt  }
0x87: {  	_ =	shalt  }
.Lfunc_end0:
.L_simem_size_0:
called_computation.2_lowered:
.L_overlay_start_0:
0x88: {  	s2 =	sld [smem:$0x3FD9]  }
0x89: {  	s3 =	sld [smem:$0x3FFE];
	_ =	sdelay $0x1  }
0x8a: {  	s1 =	srdreg.scid  }
0x8b: {  	s0 =	sand.u32 $0x1, s1  }
0x8c: {  	s17 =	sshll.u32 s0, $0xA;
	s2 =	sadd.s32 s3, s2  }
0x8d: {  	s2 =	sadd.s32 s2, s17  }
0x8e: {  	[smem:$0x3FBD] =	sst s2  }
0x8f: {  	_ = 	snop  }
0x90: {  	s2 =	sld [smem:$0x3FD0];
	(tm) =	ssettm $0x1  }
0x91: {  	s18 =	sld [smem:$0x3FFB];
	_ =	sdelay $0x3  }
0x92: {  	_ =	strace s18  }
0x93: {  	s3 =	sld [smem:$0x3FFC];
	_ =	sdelay $0x3  }
0x94: {  	_ =	strace s3  }
0x95: {  	s3 =	sld [smem:$0x3FFD];
	_ =	sdelay $0x3  }
0x96: {  	_ =	strace s3  }
0x97: {  	_ =	strace $0x8FFFFFFF  }
0x98: {  	s19 =	sld [smem:$0x3FDB];
	_ =	sdelay $0x1  }
0x99: {  	s4 =	simm.s32 $_scs_section_size  }
0x9a: {  	s5 =	simm.s32 $_size__tile_overlayer_lowered;
	s6 =	simm.s32 $_tile_overlayer_lowered  }
0x9b: {  	s22 =	simm.s32 $0x1BFF;
	s21 =	sshll.u32 s6, $0x1;
	s3 =	sadd.s32 s4, s19  }
0x9c: {  	s7 =	simm.s32 $0x0;
	s20 =	sshll.u32 s5, $0x1;
	s5 =	sadd.s32 s21, s3  }
0x9d: {  	[timem:s7], [sflag:s22] =	dma.local [hbm:s5], s20  }
0x9e: {  	_ =	swait.ge [sflag:s22], s20  }
0x9f: {  	s4 =	ssub.s32 $0x0, s20;
	[sflag:s22] =	ssyncset.done $0x0  }
0xa0: {  	[sflag:s22] =	ssyncadd.s32 s4;
	_ =	sdelay $0x1  }
0xa1: {  	s23 =	simm.s32 $0x1B8B  }
0xa2: {  	_ =	swait.ge [sflag:s23], $0x1  }
0xa3: {  	[sflag:s23] =	ssyncset.done $0x0  }
0xa4: {  	s25 =	simm.s32 $0x1B8E;
	s24 =	sld [smem:$0x3FFE];
	[sflag:s23] =	ssyncadd.s32 $0xFFFFFFFF  }
0xa5: {  	s26 =	simm.s32 $execute0_lowered;
	[smem:$0x3FD2] =	sst s25  }
0xa6: {  	s5 =	sshll.u32 s26, $0x1;
	_ =	strace $0x8000004C;
	[dreg:$0x1] =	wrdreg $0xFFFFFFFF  }
0xa7: {  	s28 =	simm.s32 $_size_execute0_lowered;
	s3 =	sadd.s32 s3, s5;
	[dreg:$0x0] =	wrdreg $0x0  }
0xa8: {  	s5 =	sshll.u32 s28, $0x1;
	[dreg:$0x2] =	wrdreg s3  }
0xa9: {  	[dreg:$0x3] =	wrdreg s5  }
0xaa: {  	[dreg:$0x4] =	wrdreg $0xC0  }
0xab: {  	_ =	task [dreg:s7], $0x5FFFF  }
0xac: {  	[dreg:$0x1] =	wrdreg $0xFFFFFFFF  }
0xad: {  	[dreg:$0x0] =	wrdreg $0x60  }
0xae: {  	[dreg:$0x2] =	wrdreg s24  }
0xaf: {  	[dreg:$0x3] =	wrdreg s2  }
0xb0: {  	[dreg:$0x4] =	wrdreg $0x40800  }
0xb1: {  	[dreg:$0x5] =	wrdreg $0x9  }
0xb2: {  	_ =	task.clear_ibuf [dreg:s7], $0x6FFFF;
	_ =	strace $0x9000004C  }
0xb3: {  	s29 =	simm.s32 $0x9;
	_ =	strace $0x8000004E  }
0xb4: {  	_ =	swait.ge [sflag:s29], $0x1  }
0xb5: {  	[sflag:s29] =	ssyncadd.s32 $0xFFFFFFFF  }
0xb6: {  	_ =	strace $0x9000004E  }
0xb7: {  	_ =	sfence  }
0xb8: {  	s30 =	sld [smem:$0x0];
	_ =	sdelay $0x2  }
0xb9: {  	s31 =	sshll.u32 s1, $0xD;
	s1 =	sshrl.u32 s1, $0x2  }
0xba: {  	s3 =	sand.u32 $0x4000, s31;
	s1 =	sadd.s32 s1, s30  }
0xbb: {  	s0 =	sor.u32 s3, s0;
	s1 =	sshll.u32 s1, $0x11  }
0xbc: {  	s0 =	sor.u32 s1, s0  }
0xbd: {  	s0 =	sadd.s32 $0x8F2B, s0  }
0xbe: {  	[sflag:s0] =	ssyncadd.remote.s32 $0x1  }
0xbf: {  	_ =	sfence.sel $0xFFFF  }
0xc0: {  	[dreg:$0x0] =	wrdreg $0xFFFFFFFF;
	(pc) =	sbr.abs _section_cstart, $3  }
0xc1: {  	[dreg:$0x1] =	wrdreg $0xFFFFFFFF  }
0xc2: {  	_ =	task.clear_ibuf [dreg:s7], $0x2FFFF;
	_ =	strace $0x9FFFFFFF  }
0xc3: {  	(tm) =	ssettm $0x7FFFFFFF  }
tec
execute0_lowered:
.L_overlay_start_1:
0x0: {  	(tag) =	ssettag $0x1  }
0x1: {  	s5 =	rddreg [dreg:$0x0]  }
0x2: {  	s0 =	srdreg.scid;
	s2 =	rddreg [dreg:$0x1]  }
0x3: {  	s3 =	rddreg [dreg:$0x2];
	s10 =	sand.u32 $0x1, s0  }
0x4: {  	s0 =	stileid.u32;
	s6 =	smul.u32 $0x2800, s10  }
0x5: {  	s1 =	rddreg [dreg:$0x3];
	s4 =	simm.s32 $0x0;
	s7 =	smul.u32 $0x5000, s0  }
0x6: {  	s19 =	simm.s32 $0x1;
	s20 =	simm.s32 $0x0;
	s8 =	smul.u32 $0x50000, s0  }
0x7: {  	[smem:$0x7FF] =	sst s4;
	s9 =	smul.u32 $0x280, s0;
	s30 =	ssub.s32 $0x2, s10  }
0x8: {  	_ =	strace $0x8000004D;
	s18 =	smul.u32 $0x28000, s10;
	s31 =	sshrl.u32 s30, $0x1  }
0x9: {  	s7 =	sadd.s32 s6, s7;
	s15 =	sadd.s32 s8, s5;
	s6 =	sadd.s32 s9, s6  }
0xa: {  	s8 =	sshrl.u32 s8, $0x2;
	s16 =	ssub.s32 s30, s31;
	s7 =	sshrl.u32 s7, $0x3  }
0xb: {  	s6 =	sshll.u32 s6, $0x4;
	s18 =	sadd.s32 s18, s15;
	s15 =	smax.u32 s16, $0x1  }
0xc: {  	s17 =	sadd.s32 s7, s5;
	s14 =	sadd.s32 s6, s5;
	s5 =	sadd.s32 s8, s3  }
0xd: {  	s16 =	sadd.s32 $0x6F800, s18;
	s18 =	simm.s32 $0x80;
	s6 =	sadd.s32 $0x4000, s5  }
0xe: {  	s7 =	sadd.s32 $0x8000, s5;
	s8 =	sadd.s32 $0xC000, s5;
	s9 =	sadd.s32 $0x56F800, s14  }
0xf: {  	s10 =	sadd.s32 $0x10000, s5;
	s11 =	sadd.s32 $0x570000, s14;
	s12 =	sadd.s32 $0x570800, s14  }
0x10: {  	s13 =	sadd.s32 $0x571000, s14;
	s14 =	sadd.s32 $0x571800, s14;
	s17 =	sadd.s32 $0xD400, s17  }
.LBB2_1:
0x11: {  	[tilespmem:s18], [sflag:$0x1] =	stream.linear.gather [hbm4b:s2+s4], $0x4000, $0x38;
	[tilespmem:$0x18080] =	vst v63  }
0x12: {  	_ =	swait.ge [sflag:s19], $0x4000  }
0x13: {  	[sflag:s19] =	ssyncset.done $0x0  }
0x14: {  	[sflag:s19] =	ssyncadd.s32 $0xFFFFC000  }
0x15: {  	[spmem:s5] =	stream.linear.scatter [tilespmem:s18], [sflag:$0x1], $0x4000, $0x38;
	[tilespmem:$0x18080] =	vst v63  }
0x16: {  	_ =	swait.ge [sflag:s19], $0x4000  }
0x17: {  	[sflag:s19] =	ssyncset.done $0x0  }
0x18: {  	[sflag:s19] =	ssyncadd.s32 $0xFFFFC000  }
0x19: {  	[spmem:s6] =	stream.linear.scatter [tilespmem:s18], [sflag:$0x1], $0x4000, $0x38;
	[tilespmem:$0x18080] =	vst v63  }
0x1a: {  	_ =	swait.ge [sflag:s19], $0x4000  }
0x1b: {  	[sflag:s19] =	ssyncset.done $0x0  }
0x1c: {  	[sflag:s19] =	ssyncadd.s32 $0xFFFFC000  }
0x1d: {  	[spmem:s7] =	stream.linear.scatter [tilespmem:s18], [sflag:$0x1], $0x4000, $0x38;
	[tilespmem:$0x18080] =	vst v63  }
0x1e: {  	_ =	swait.ge [sflag:s19], $0x4000  }
0x1f: {  	[sflag:s19] =	ssyncset.done $0x0  }
0x20: {  	[sflag:s19] =	ssyncadd.s32 $0xFFFFC000  }
0x21: {  	[spmem:s8] =	stream.linear.scatter [tilespmem:s18], [sflag:$0x1], $0x4000, $0x38;
	[tilespmem:$0x18080] =	vst v63  }
0x22: {  	_ =	swait.ge [sflag:s19], $0x4000  }
0x23: {  	[sflag:s19] =	ssyncset.done $0x0  }
0x24: {  	[sflag:s19] =	ssyncadd.s32 $0xFFFFC000  }
0x25: {  	[spmem:s10] =	stream.linear.scatter [tilespmem:s18], [sflag:$0x1], $0x4000, $0x38;
	[tilespmem:$0x18080] =	vst v63  }
0x26: {  	_ =	swait.ge [sflag:s19], $0x4000  }
0x27: {  	[sflag:s19] =	ssyncset.done $0x0  }
0x28: {  	[sflag:s19] =	ssyncadd.s32 $0xFFFFC000  }
0x29: {  	s21 =	sadd.s32 $0x0, s17;
	[bflag:$0x0] =	sbarrier.arrive $0xFFFF  }
0x2a: {  	[tilespmem:s4], [sflag:$0x1] =	stream.linear.gather [hbm4b:s21+s4], $0x80, $0x38;
	[tilespmem:$0x18080] =	vst v63  }
0x2b: {  	_ =	swait.ge [sflag:s19], $0x80  }
0x2c: {  	[sflag:s19] =	ssyncset.done $0x0  }
0x2d: {  	[sflag:s19] =	ssyncadd.s32 $0xFFFFFF80  }
0x2e: {  	[tilespmem:s18], [sflag:$0x1] =	stream.linear.gather [hbm4b:s16+s4], $0x4000, $0x38;
	[tilespmem:$0x18080] =	vst v63  }
0x2f: {  	_ =	swait.ge [sflag:s19], $0x4000  }
0x30: {  	[sflag:s19] =	ssyncset.done $0x0  }
0x31: {  	[sflag:s19] =	ssyncadd.s32 $0xFFFFC000  }
0x32: {  	[spmem:s3] =	stream.indirect.scatter.add.f32 [tilespmem:s18], [sflag:$0x1], $0x80, s4, s18, $0xb8;
	[tilespmem:$0x18080] =	vst v63  }
0x33: {  	s22 =	simm.s32 $0x10;
	_ =	swait.ge [sflag:s19], $0x4000  }
0x34: {  	s23 =	simm.s32 $0x20;
	s21 =	sadd.s32 $0x800, s16;
	[sflag:s19] =	ssyncset.done $0x0  }
.LBB2_2:
0x35: {  	s24 =	sadd.s32 s22, s17  }
0x36: {  	[sflag:s19] =	ssyncadd.s32 $0xFFFFC000;
	s22 =	smov.u32 s23;
	s25 =	sadd.s32 $0x10, s23  }
0x37: {  	[tilespmem:s4], [sflag:$0x1] =	stream.linear.gather [hbm4b:s24+s4], $0x80, $0x38;
	[tilespmem:$0x18080] =	vst v63  }
0x38: {  	p0 =	sne.s32 s23, $0x4F0;
	_ =	swait.ge [sflag:s19], $0x80  }
0x39: {  	[sflag:s19] =	ssyncset.done $0x0  }
0x3a: {  	[sflag:s19] =	ssyncadd.s32 $0xFFFFFF80  }
0x3b: {  	[tilespmem:s18], [sflag:$0x1] =	stream.linear.gather [hbm4b:s21+s4], $0x4000, $0x38;
	[tilespmem:$0x18080] =	vst v63  }
0x3c: {  	_ =	swait.ge [sflag:s19], $0x4000  }
.Ltmp0:
0x3d: {  	[sflag:s19] =	ssyncset.done $0x0;
	(pc) =	sbr.rel @p0 .LBB2_2-.Ltmp0, $4  }
0x3e: {  	[sflag:s19] =	ssyncadd.s32 $0xFFFFC000  }
0x3f: {  	[spmem:s3] =	stream.indirect.scatter.add.f32 [tilespmem:s18], [sflag:$0x1], $0x80, s4, s18, $0xb8;
	[tilespmem:$0x18080] =	vst v63  }
0x40: {  	_ =	swait.ge [sflag:s19], $0x4000  }
0x41: {  	s23 =	smov.u32 s25;
	s21 =	sadd.s32 $0x800, s21;
	[sflag:s19] =	ssyncset.done $0x0  }
0x42: {  	s22 =	sadd.s32 s22, s17;
	[sflag:s19] =	ssyncadd.s32 $0xFFFFC000  }
0x43: {  	[tilespmem:s4], [sflag:$0x1] =	stream.linear.gather [hbm4b:s22+s4], $0x80, $0x38;
	[tilespmem:$0x18080] =	vst v63  }
0x44: {  	_ =	swait.ge [sflag:s19], $0x80  }
0x45: {  	[sflag:s19] =	ssyncset.done $0x0  }
0x46: {  	[sflag:s19] =	ssyncadd.s32 $0xFFFFFF80  }
0x47: {  	[tilespmem:s18], [sflag:$0x1] =	stream.linear.gather [hbm4b:s21+s4], $0x4000, $0x38;
	[tilespmem:$0x18080] =	vst v63  }
0x48: {  	_ =	swait.ge [sflag:s19], $0x4000  }
0x49: {  	[sflag:s19] =	ssyncset.done $0x0  }
0x4a: {  	[sflag:s19] =	ssyncadd.s32 $0xFFFFC000  }
0x4b: {  	[spmem:s3] =	stream.indirect.scatter.add.f32 [tilespmem:s18], [sflag:$0x1], $0x80, s4, s18, $0xb8;
	[tilespmem:$0x18080] =	vst v63  }
0x4c: {  	_ =	swait.ge [sflag:s19], $0x4000  }
0x4d: {  	[sflag:s19] =	ssyncset.done $0x0  }
0x4e: {  	[sflag:s19] =	ssyncadd.s32 $0xFFFFC000  }
0x4f: {  	[bflag:$0x0] =	sbarrier.arrive $0xFFFF  }
0x50: {  	[tilespmem:s18], [sflag:$0x1] =	stream.linear.gather [spmem:s5], $0x4000, $0x38;
	[tilespmem:$0x18080] =	vst v63  }
0x51: {  	_ =	swait.ge [sflag:s19], $0x4000  }
0x52: {  	[sflag:s19] =	ssyncset.done $0x0  }
0x53: {  	[sflag:s19] =	ssyncadd.s32 $0xFFFFC000  }
0x54: {  	[hbm4b:s9+s4] =	stream.linear.scatter [tilespmem:s18], [sflag:$0x1], $0x4000, $0x38;
	[tilespmem:$0x18080] =	vst v63  }
0x55: {  	_ =	swait.ge [sflag:s19], $0x4000  }
0x56: {  	[sflag:s19] =	ssyncset.done $0x0  }
0x57: {  	[sflag:s19] =	ssyncadd.s32 $0xFFFFC000  }
0x58: {  	[tilespmem:s18], [sflag:$0x1] =	stream.linear.gather [spmem:s6], $0x4000, $0x38;
	[tilespmem:$0x18080] =	vst v63  }
0x59: {  	_ =	swait.ge [sflag:s19], $0x4000  }
0x5a: {  	[sflag:s19] =	ssyncset.done $0x0  }
0x5b: {  	[sflag:s19] =	ssyncadd.s32 $0xFFFFC000  }
0x5c: {  	[hbm4b:s11+s4] =	stream.linear.scatter [tilespmem:s18], [sflag:$0x1], $0x4000, $0x38;
	[tilespmem:$0x18080] =	vst v63  }
0x5d: {  	_ =	swait.ge [sflag:s19], $0x4000  }
0x5e: {  	[sflag:s19] =	ssyncset.done $0x0  }
0x5f: {  	[sflag:s19] =	ssyncadd.s32 $0xFFFFC000  }
0x60: {  	[tilespmem:s18], [sflag:$0x1] =	stream.linear.gather [spmem:s7], $0x4000, $0x38;
	[tilespmem:$0x18080] =	vst v63  }
0x61: {  	_ =	swait.ge [sflag:s19], $0x4000  }
0x62: {  	[sflag:s19] =	ssyncset.done $0x0  }
0x63: {  	[sflag:s19] =	ssyncadd.s32 $0xFFFFC000  }
0x64: {  	[hbm4b:s12+s4] =	stream.linear.scatter [tilespmem:s18], [sflag:$0x1], $0x4000, $0x38;
	[tilespmem:$0x18080] =	vst v63  }
0x65: {  	_ =	swait.ge [sflag:s19], $0x4000  }
0x66: {  	[sflag:s19] =	ssyncset.done $0x0  }
0x67: {  	[sflag:s19] =	ssyncadd.s32 $0xFFFFC000  }
0x68: {  	[tilespmem:s18], [sflag:$0x1] =	stream.linear.gather [spmem:s8], $0x4000, $0x38;
	[tilespmem:$0x18080] =	vst v63  }
0x69: {  	_ =	swait.ge [sflag:s19], $0x4000  }
0x6a: {  	[sflag:s19] =	ssyncset.done $0x0  }
0x6b: {  	[sflag:s19] =	ssyncadd.s32 $0xFFFFC000  }
0x6c: {  	[hbm4b:s13+s4] =	stream.linear.scatter [tilespmem:s18], [sflag:$0x1], $0x4000, $0x38;
	[tilespmem:$0x18080] =	vst v63  }
0x6d: {  	_ =	swait.ge [sflag:s19], $0x4000  }
0x6e: {  	[sflag:s19] =	ssyncset.done $0x0  }
0x6f: {  	[sflag:s19] =	ssyncadd.s32 $0xFFFFC000  }
0x70: {  	[tilespmem:s18], [sflag:$0x1] =	stream.linear.gather [spmem:s10], $0x4000, $0x38;
	[tilespmem:$0x18080] =	vst v63  }
0x71: {  	s20 =	sadd.s32 $0x1, s20;
	_ =	swait.ge [sflag:s19], $0x4000  }
0x72: {  	p0 =	sne.s32 s20, s15;
	[sflag:s19] =	ssyncset.done $0x0  }
.Ltmp1:
0x73: {  	[sflag:s19] =	ssyncadd.s32 $0xFFFFC000;
	(pc) =	sbr.rel @p0 .LBB2_1-.Ltmp1, $4  }
0x74: {  	[hbm4b:s14+s4] =	stream.linear.scatter [tilespmem:s18], [sflag:$0x1], $0x4000, $0x38;
	[tilespmem:$0x18080] =	vst v63  }
0x75: {  	_ =	swait.ge [sflag:s19], $0x4000  }
0x76: {  	[sflag:s19] =	ssyncset.done $0x0  }
0x77: {  	[sflag:s19] =	ssyncadd.s32 $0xFFFFC000  }
0x78: {  	_ =	sfence.sel $0x180000  }
0x79: {  	[bflag:$0x0] =	sbarrier.arrive $0xFFFF  }
0x7a: {  	p0 =	sne.s32 s0, $0x0;
	_ =	strace $0x9000004D  }
0x7b: {  	s0 =	sadd.s32 @!p0 $0x100000, s1;
	[bflag:$0x2] =	sbarrier.arrive $0xFFFF  }
0x7c: {  	[sflag:s0] =	ssyncadd.tile.s32 @!p0 $0x1;
	_ =	shalt  }
.Lfunc_end2:
_tile_overlayer_lowered:
.L_overlay_start_2:
0x7d: {  	(tag) =	ssettag $0x2  }
0x7e: {  	s0 =	rddreg [dreg:$0x0];
	s2 =	stileid.u32  }
0x7f: {  	s1 =	rddreg [dreg:$0x1];
	p0 =	sne.s32 s2, $0x0  }
0x80: {  	s3 =	rddreg [dreg:$0x2];
	[bflag:$0x3] =	sbarrier.arrive $0xFFFF;
	s2 =	simm.s32 @!p0 $0x1C01  }
0x81: {  	[timem:s3], [sflag:s2] =	dma.local @!p0 [hbm:s0], s1  }
0x82: {  	s0 =	simm.s32 @!p0 $0x1  }
0x83: {  	_ =	swait.ge @!p0 [sflag:s0], s1  }
0x84: {  	s1 =	ssub.s32 @!p0 $0x0, s1;
	[sflag:s0] =	ssyncset.done @!p0 $0x0  }
0x85: {  	[sflag:s0] =	ssyncadd.s32 @!p0 s1  }
0x86: {  	[bflag:$0x3] =	sbarrier.arrive $0xFFFF  }
0x87: {  	_ =	shalt  }

// kernel: kernel.8.cloned.1.call-start
scs
__scs_entry_jumppad:
0x0: {  	(pc) =	sbr.rel $0x88, $3  }
0x1: {  	(tag) =	ssettag $0x0;
	lr =	simm.s32 $0x1  }
0x2: {  	[smem:$0x3F96] =	sst lr;
	_ =	strace $0xD0000000  }
0x3: {  	_ = 	snop  }
0x4: {  	_ = 	snop  }
0x5: {  	_ = 	snop  }
0x6: {  	_ = 	snop  }
0x7: {  	_ = 	snop  }
__scs_overlays_trampoline_lowered:
0x8: {  	[smem:$0x3FA5] =	sst s0  }
0x9: {  	[smem:$0x3FA6] =	sst s1  }
0xa: {  	[smem:$0x3FA7] =	sst s2  }
0xb: {  	[smem:$0x3FA8] =	sst s3  }
0xc: {  	[smem:$0x3FA9] =	sst s4  }
0xd: {  	[smem:$0x3FAA] =	sst s5  }
0xe: {  	[smem:$0x3FAB] =	sst s6  }
0xf: {  	[smem:$0x3FAC] =	sst s7  }
0x10: {  	[smem:$0x3FAD] =	sst s8  }
0x11: {  	[smem:$0x3FAE] =	sst s9;
	s0 =	simm.s32 @!p0 $0x0  }
0x12: {  	s1 =	sld [smem:$0x3F94];
	s0 =	simm.s32 @p0 $0x1  }
0x13: {  	[smem:$0x3FAF] =	sst s0;
	s0 =	simm.s32 @!p1 $0x0  }
0x14: {  	s2 =	sld [smem:$0x3F93];
	s0 =	simm.s32 @p1 $0x1  }
0x15: {  	[smem:$0x3FB0] =	sst s0;
	s0 =	simm.s32 @!p2 $0x0  }
0x16: {  	s3 =	sld [smem:$0x3FDB];
	s0 =	simm.s32 @p2 $0x1  }
0x17: {  	s4 =	simm.s32 $0x1BF5;
	[smem:$0x3FB2] =	sst s0  }
0x18: {  	s0 =	sld [smem:$0x3F95];
	_ =	swait.ge [sflag:s4], $0x0  }
0x19: {  	s7 =	sld [smem:$0x3F96]  }
0x1a: {  	s8 =	sadd.s32 $0xFFFFE003, lr  }
0x1b: {  	s9 =	sadd.s32 $0xFFFFFEF7, lr;
	s5 =	simm.s32 $0xFFFFFFFF;
	p2 =	slt.u32 s8, $0xFFFFF086  }
0x1c: {  	p1 =	slt.u32 s9, $0xF7A;
	s5 =	simm.s32 @!p2 $0x0  }
0x1d: {  	s5 =	simm.s32 @p1 $0x1;
	p0 =	seq.s32 s7, s2  }
0x1e: {  	s7 =	smul.u32 @!p0 $0xF7A, s2;
	p2 =	seq.s32 @!p0 s5, $0x0  }
0x1f: {  	s9 =	smul.u32 $0xF7A, s1;
	s8 =	simm.s32 @!p0 $0x1BF5;
	p2 =	por !p2, p0  }
0x20: {  	[sflag:s8] =	ssyncset.s32 @!p0 $0xFFFFF086;
	s6 =	sadd.s32 @!p0 s3, s7;
	s7 =	simm.s32 @!p0 $0x108  }
0x21: {  	s3 =	sadd.s32 s3, s9;
	s6 =	sadd.s32 @!p0 $0x88, s6;
	s7 =	simm.s32 @p2 $0x1082  }
0x22: {  	[simem:s7], [sflag:s8] =	dma.local @!p0 [hbm:s6], $0xF7A  }
0x23: {  	s9 =	sor.u32 $0xD0000000, s2;
	s6 =	simm.s32 $0x108;
	_ =	swait.ge @!p0 [sflag:s8], $0x0  }
0x24: {  	s3 =	sadd.s32 $0x88, s3;
	s6 =	simm.s32 @!p1 $0x1082;
	[sflag:s4] =	ssyncset.s32 $0xFFFFF086  }
0x25: {  	[simem:s6], [sflag:s4] =	dma.local [hbm:s3], $0xF7A  }
0x26: {  	[smem:$0x3F96] =	sst s1;
	(tag) =	ssettag s2;
	_ =	strace s9  }
0x27: {  	s1 =	sld [smem:$0x3FA6]  }
0x28: {  	s2 =	sld [smem:$0x3FA7]  }
0x29: {  	s4 =	sld [smem:$0x3FA9]  }
0x2a: {  	p0 =	seq.s32 s5, $0x0;
	s5 =	sld [smem:$0x3FAA]  }
0x2b: {  	s6 =	sld [smem:$0x3FAB]  }
0x2c: {  	s7 =	sld [smem:$0x3FAC]  }
0x2d: {  	s3 =	simm.s32 $0x108;
	s8 =	sld [smem:$0x3FAD]  }
0x2e: {  	s3 =	simm.s32 @!p0 $0x1082;
	s9 =	sld [smem:$0x3FAE]  }
0x2f: {  	lr =	sadd.s32 s0, s3;
	s0 =	sld [smem:$0x3FA5]  }
0x30: {  	s3 =	sld [smem:$0x3FA8]  }
0x31: {  	[smem:$0x3FB1] =	sst s10  }
0x32: {  	s10 =	sld [smem:$0x3FAF];
	_ =	sdelay $0x3  }
0x33: {  	p0 =	seq.s32 s10, $0x1;
	s10 =	sld [smem:$0x3FB1];
	_ =	sdelay $0x3  }
0x34: {  	[smem:$0x3FB1] =	sst s10  }
0x35: {  	s10 =	sld [smem:$0x3FB0];
	_ =	sdelay $0x3  }
0x36: {  	p1 =	seq.s32 s10, $0x1;
	s10 =	sld [smem:$0x3FB1];
	_ =	sdelay $0x3  }
0x37: {  	[smem:$0x3FB1] =	sst s10  }
0x38: {  	s10 =	sld [smem:$0x3FB2]  }
0x39: {  	_ = 	snop;
	(pc) =	sbr.ind lr, $3  }
0x3a: {  	_ = 	snop  }
0x3b: {  	_ = 	snop  }
0x3c: {  	p2 =	seq.s32 s10, $0x1;
	s10 =	sld [smem:$0x3FB1]  }
0x3d: {  	_ =	shalt  }
0x3e: {  	_ =	shalt  }
0x3f: {  	_ =	shalt  }
0x40: {  	_ =	shalt  }
0x41: {  	_ =	shalt  }
0x42: {  	_ =	shalt  }
0x43: {  	_ =	shalt  }
0x44: {  	_ =	shalt  }
0x45: {  	_ =	shalt  }
0x46: {  	_ =	shalt  }
0x47: {  	_ =	shalt  }
0x48: {  	_ =	shalt  }
0x49: {  	_ =	shalt  }
0x4a: {  	_ =	shalt  }
0x4b: {  	_ =	shalt  }
0x4c: {  	_ =	shalt  }
0x4d: {  	_ =	shalt  }
0x4e: {  	_ =	shalt  }
0x4f: {  	_ =	shalt  }
0x50: {  	_ =	shalt  }
0x51: {  	_ =	shalt  }
0x52: {  	_ =	shalt  }
0x53: {  	_ =	shalt  }
0x54: {  	_ =	shalt  }
0x55: {  	_ =	shalt  }
0x56: {  	_ =	shalt  }
0x57: {  	_ =	shalt  }
0x58: {  	_ =	shalt  }
0x59: {  	_ =	shalt  }
0x5a: {  	_ =	shalt  }
0x5b: {  	_ =	shalt  }
0x5c: {  	_ =	shalt  }
0x5d: {  	_ =	shalt  }
0x5e: {  	_ =	shalt  }
0x5f: {  	_ =	shalt  }
0x60: {  	_ =	shalt  }
0x61: {  	_ =	shalt  }
0x62: {  	_ =	shalt  }
0x63: {  	_ =	shalt  }
0x64: {  	_ =	shalt  }
0x65: {  	_ =	shalt  }
0x66: {  	_ =	shalt  }
0x67: {  	_ =	shalt  }
0x68: {  	_ =	shalt  }
0x69: {  	_ =	shalt  }
0x6a: {  	_ =	shalt  }
0x6b: {  	_ =	shalt  }
0x6c: {  	_ =	shalt  }
0x6d: {  	_ =	shalt  }
0x6e: {  	_ =	shalt  }
0x6f: {  	_ =	shalt  }
0x70: {  	_ =	shalt  }
0x71: {  	_ =	shalt  }
0x72: {  	_ =	shalt  }
0x73: {  	_ =	shalt  }
0x74: {  	_ =	shalt  }
0x75: {  	_ =	shalt  }
0x76: {  	_ =	shalt  }
0x77: {  	_ =	shalt  }
0x78: {  	_ =	shalt  }
0x79: {  	_ =	shalt  }
0x7a: {  	_ =	shalt  }
0x7b: {  	_ =	shalt  }
0x7c: {  	_ =	shalt  }
0x7d: {  	_ =	shalt  }
0x7e: {  	_ =	shalt  }
0x7f: {  	_ =	shalt  }
0x80: {  	_ =	shalt  }
0x81: {  	_ =	shalt  }
0x82: {  	_ =	shalt  }
0x83: {  	_ =	shalt  }
0x84: {  	_ =	shalt  }
0x85: {  	_ =	shalt  }
0x86: {  	_ =	shalt  }
0x87: {  	_ =	shalt  }
.Lfunc_end0:
.L_simem_size_0:
called_computation_lowered:
.L_overlay_start_0:
0x88: {  	s2 =	sld [smem:$0x3FD9]  }
0x89: {  	s3 =	sld [smem:$0x3FFE];
	_ =	sdelay $0x1  }
0x8a: {  	s1 =	srdreg.scid  }
0x8b: {  	s0 =	sand.u32 $0x1, s1  }
0x8c: {  	s17 =	sshll.u32 s0, $0xA;
	s2 =	sadd.s32 s3, s2  }
0x8d: {  	s2 =	sadd.s32 s2, s17  }
0x8e: {  	[smem:$0x3FBD] =	sst s2  }
0x8f: {  	_ = 	snop  }
0x90: {  	s2 =	sld [smem:$0x3FD0];
	(tm) =	ssettm $0x1  }
0x91: {  	s18 =	sld [smem:$0x3FFB];
	_ =	sdelay $0x3  }
0x92: {  	_ =	strace s18  }
0x93: {  	s3 =	sld [smem:$0x3FFC];
	_ =	sdelay $0x3  }
0x94: {  	_ =	strace s3  }
0x95: {  	s3 =	sld [smem:$0x3FFD];
	_ =	sdelay $0x3  }
0x96: {  	_ =	strace s3  }
0x97: {  	_ =	strace $0x8FFFFFFF  }
0x98: {  	s19 =	sld [smem:$0x3FDB];
	_ =	sdelay $0x1  }
0x99: {  	s4 =	simm.s32 $_scs_section_size  }
0x9a: {  	s5 =	simm.s32 $_size__tile_overlayer_lowered;
	s6 =	simm.s32 $_tile_overlayer_lowered  }
0x9b: {  	s22 =	simm.s32 $0x1BFF;
	s21 =	sshll.u32 s6, $0x1;
	s3 =	sadd.s32 s4, s19  }
0x9c: {  	s7 =	simm.s32 $0x0;
	s20 =	sshll.u32 s5, $0x1;
	s5 =	sadd.s32 s21, s3  }
0x9d: {  	[timem:s7], [sflag:s22] =	dma.local [hbm:s5], s20  }
0x9e: {  	_ =	swait.ge [sflag:s22], s20  }
0x9f: {  	s4 =	ssub.s32 $0x0, s20;
	[sflag:s22] =	ssyncset.done $0x0  }
0xa0: {  	[sflag:s22] =	ssyncadd.s32 s4;
	_ =	sdelay $0x1  }
0xa1: {  	s23 =	simm.s32 $0x1B8B  }
0xa2: {  	_ =	swait.ge [sflag:s23], $0x1  }
0xa3: {  	[sflag:s23] =	ssyncset.done $0x0  }
0xa4: {  	s25 =	simm.s32 $0x1B8E;
	s24 =	sld [smem:$0x3FFE];
	[sflag:s23] =	ssyncadd.s32 $0xFFFFFFFF  }
0xa5: {  	s26 =	simm.s32 $execute0_lowered;
	[smem:$0x3FD2] =	sst s25  }
0xa6: {  	s5 =	sshll.u32 s26, $0x1;
	_ =	strace $0x80000046;
	[dreg:$0x1] =	wrdreg $0xFFFFFFFF  }
0xa7: {  	s28 =	simm.s32 $_size_execute0_lowered;
	s3 =	sadd.s32 s3, s5;
	[dreg:$0x0] =	wrdreg $0x0  }
0xa8: {  	s5 =	sshll.u32 s28, $0x1;
	[dreg:$0x2] =	wrdreg s3  }
0xa9: {  	[dreg:$0x3] =	wrdreg s5  }
0xaa: {  	[dreg:$0x4] =	wrdreg $0xC0  }
0xab: {  	_ =	task [dreg:s7], $0x5FFFF  }
0xac: {  	[dreg:$0x1] =	wrdreg $0xFFFFFFFF  }
0xad: {  	[dreg:$0x0] =	wrdreg $0x60  }
0xae: {  	[dreg:$0x2] =	wrdreg s24  }
0xaf: {  	[dreg:$0x3] =	wrdreg s2  }
0xb0: {  	[dreg:$0x4] =	wrdreg $0x40800  }
0xb1: {  	[dreg:$0x5] =	wrdreg $0x9  }
0xb2: {  	_ =	task.clear_ibuf [dreg:s7], $0x6FFFF;
	_ =	strace $0x90000046  }
0xb3: {  	s29 =	simm.s32 $0x9;
	_ =	strace $0x80000048  }
0xb4: {  	_ =	swait.ge [sflag:s29], $0x1  }
0xb5: {  	[sflag:s29] =	ssyncadd.s32 $0xFFFFFFFF  }
0xb6: {  	_ =	strace $0x90000048  }
0xb7: {  	_ =	sfence  }
0xb8: {  	s30 =	sld [smem:$0x0];
	_ =	sdelay $0x2  }
0xb9: {  	s31 =	sshll.u32 s1, $0xD;
	s1 =	sshrl.u32 s1, $0x2  }
0xba: {  	s3 =	sand.u32 $0x4000, s31;
	s1 =	sadd.s32 s1, s30  }
0xbb: {  	s0 =	sor.u32 s3, s0;
	s1 =	sshll.u32 s1, $0x11  }
0xbc: {  	s0 =	sor.u32 s1, s0  }
0xbd: {  	s0 =	sadd.s32 $0x8F2B, s0  }
0xbe: {  	[sflag:s0] =	ssyncadd.remote.s32 $0x1  }
0xbf: {  	_ =	sfence.sel $0xFFFF  }
0xc0: {  	[dreg:$0x0] =	wrdreg $0xFFFFFFFF;
	(pc) =	sbr.abs _section_cstart, $3  }
0xc1: {  	[dreg:$0x1] =	wrdreg $0xFFFFFFFF  }
0xc2: {  	_ =	task.clear_ibuf [dreg:s7], $0x2FFFF;
	_ =	strace $0x9FFFFFFF  }
0xc3: {  	(tm) =	ssettm $0x7FFFFFFF  }
tec
execute0_lowered:
.L_overlay_start_1:
0x0: {  	(tag) =	ssettag $0x1  }
0x1: {  	s5 =	rddreg [dreg:$0x0]  }
0x2: {  	s0 =	srdreg.scid;
	s2 =	rddreg [dreg:$0x1]  }
0x3: {  	s3 =	rddreg [dreg:$0x2];
	s11 =	sand.u32 $0x1, s0  }
0x4: {  	s0 =	stileid.u32;
	s6 =	smul.u32 $0x2800, s11  }
0x5: {  	s1 =	rddreg [dreg:$0x3];
	s4 =	simm.s32 $0x0;
	s7 =	smul.u32 $0x5000, s0  }
0x6: {  	s19 =	simm.s32 $0x1;
	s20 =	simm.s32 $0x0;
	s8 =	smul.u32 $0x50000, s0  }
0x7: {  	[smem:$0x7FF] =	sst s4;
	s9 =	smul.u32 $0x280, s0;
	s12 =	ssub.s32 $0x2, s11  }
0x8: {  	_ =	strace $0x80000047;
	s16 =	smul.u32 $0x28000, s11;
	s13 =	sshrl.u32 s12, $0x1  }
0x9: {  	s7 =	sadd.s32 s6, s7;
	s15 =	sadd.s32 s8, s5;
	s6 =	sadd.s32 s9, s6  }
0xa: {  	s31 =	sshrl.u32 s8, $0x2;
	s18 =	ssub.s32 s12, s13;
	s7 =	sshrl.u32 s7, $0x3  }
0xb: {  	s6 =	sshll.u32 s6, $0x4;
	s16 =	sadd.s32 s16, s15;
	s17 =	sadd.s32 s7, s5  }
0xc: {  	s14 =	sadd.s32 s6, s5;
	s5 =	sadd.s32 s31, s3;
	s16 =	sadd.s32 $0x21400, s16  }
0xd: {  	s6 =	sadd.s32 $0x4000, s5;
	s7 =	sadd.s32 $0x8000, s5;
	s8 =	sadd.s32 $0xC000, s5  }
0xe: {  	s15 =	smax.u32 s18, $0x1;
	s10 =	sadd.s32 $0x521400, s14;
	s11 =	sadd.s32 $0x521C00, s14  }
0xf: {  	s18 =	simm.s32 $0x80;
	s12 =	sadd.s32 $0x522400, s14;
	s13 =	sadd.s32 $0x522C00, s14  }
0x10: {  	s9 =	sadd.s32 $0x10000, s5;
	s14 =	sadd.s32 $0x523400, s14;
	s17 =	sadd.s32 $0xD400, s17  }
.LBB2_1:
0x11: {  	[tilespmem:s18], [sflag:$0x1] =	stream.linear.gather [hbm4b:s2+s4], $0x4000, $0x38;
	[tilespmem:$0x18080] =	vst v63  }
0x12: {  	_ =	swait.ge [sflag:s19], $0x4000  }
0x13: {  	[sflag:s19] =	ssyncset.done $0x0  }
0x14: {  	[sflag:s19] =	ssyncadd.s32 $0xFFFFC000  }
0x15: {  	[spmem:s5] =	stream.linear.scatter [tilespmem:s18], [sflag:$0x1], $0x4000, $0x38;
	[tilespmem:$0x18080] =	vst v63  }
0x16: {  	_ =	swait.ge [sflag:s19], $0x4000  }
0x17: {  	[sflag:s19] =	ssyncset.done $0x0  }
0x18: {  	[sflag:s19] =	ssyncadd.s32 $0xFFFFC000  }
0x19: {  	[spmem:s6] =	stream.linear.scatter [tilespmem:s18], [sflag:$0x1], $0x4000, $0x38;
	[tilespmem:$0x18080] =	vst v63  }
0x1a: {  	_ =	swait.ge [sflag:s19], $0x4000  }
0x1b: {  	[sflag:s19] =	ssyncset.done $0x0  }
0x1c: {  	[sflag:s19] =	ssyncadd.s32 $0xFFFFC000  }
0x1d: {  	[spmem:s7] =	stream.linear.scatter [tilespmem:s18], [sflag:$0x1], $0x4000, $0x38;
	[tilespmem:$0x18080] =	vst v63  }
0x1e: {  	_ =	swait.ge [sflag:s19], $0x4000  }
0x1f: {  	[sflag:s19] =	ssyncset.done $0x0  }
0x20: {  	[sflag:s19] =	ssyncadd.s32 $0xFFFFC000  }
0x21: {  	[spmem:s8] =	stream.linear.scatter [tilespmem:s18], [sflag:$0x1], $0x4000, $0x38;
	[tilespmem:$0x18080] =	vst v63  }
0x22: {  	_ =	swait.ge [sflag:s19], $0x4000  }
0x23: {  	[sflag:s19] =	ssyncset.done $0x0  }
0x24: {  	[sflag:s19] =	ssyncadd.s32 $0xFFFFC000  }
0x25: {  	[spmem:s9] =	stream.linear.scatter [tilespmem:s18], [sflag:$0x1], $0x4000, $0x38;
	[tilespmem:$0x18080] =	vst v63  }
0x26: {  	_ =	swait.ge [sflag:s19], $0x4000  }
0x27: {  	[sflag:s19] =	ssyncset.done $0x0  }
0x28: {  	[sflag:s19] =	ssyncadd.s32 $0xFFFFC000  }
0x29: {  	s21 =	sadd.s32 $0x0, s17;
	[bflag:$0x0] =	sbarrier.arrive $0xFFFF  }
0x2a: {  	[tilespmem:s4], [sflag:$0x1] =	stream.linear.gather [hbm4b:s21+s4], $0x80, $0x38;
	[tilespmem:$0x18080] =	vst v63  }
0x2b: {  	_ =	swait.ge [sflag:s19], $0x80  }
0x2c: {  	[sflag:s19] =	ssyncset.done $0x0  }
0x2d: {  	[sflag:s19] =	ssyncadd.s32 $0xFFFFFF80  }
0x2e: {  	[tilespmem:s18], [sflag:$0x1] =	stream.linear.gather [hbm4b:s16+s4], $0x4000, $0x38;
	[tilespmem:$0x18080] =	vst v63  }
0x2f: {  	_ =	swait.ge [sflag:s19], $0x4000  }
0x30: {  	[sflag:s19] =	ssyncset.done $0x0  }
0x31: {  	[sflag:s19] =	ssyncadd.s32 $0xFFFFC000  }
0x32: {  	[spmem:s3] =	stream.indirect.scatter.add.f32 [tilespmem:s18], [sflag:$0x1], $0x80, s4, s18, $0xb8;
	[tilespmem:$0x18080] =	vst v63  }
0x33: {  	s22 =	simm.s32 $0x10;
	_ =	swait.ge [sflag:s19], $0x4000  }
0x34: {  	s23 =	simm.s32 $0x20;
	s21 =	sadd.s32 $0x800, s16;
	[sflag:s19] =	ssyncset.done $0x0  }
.LBB2_2:
0x35: {  	s24 =	sadd.s32 s22, s17  }
0x36: {  	[sflag:s19] =	ssyncadd.s32 $0xFFFFC000;
	s22 =	smov.u32 s23;
	s25 =	sadd.s32 $0x10, s23  }
0x37: {  	[tilespmem:s4], [sflag:$0x1] =	stream.linear.gather [hbm4b:s24+s4], $0x80, $0x38;
	[tilespmem:$0x18080] =	vst v63  }
0x38: {  	p0 =	sne.s32 s23, $0x4F0;
	_ =	swait.ge [sflag:s19], $0x80  }
0x39: {  	[sflag:s19] =	ssyncset.done $0x0  }
0x3a: {  	[sflag:s19] =	ssyncadd.s32 $0xFFFFFF80  }
0x3b: {  	[tilespmem:s18], [sflag:$0x1] =	stream.linear.gather [hbm4b:s21+s4], $0x4000, $0x38;
	[tilespmem:$0x18080] =	vst v63  }
0x3c: {  	_ =	swait.ge [sflag:s19], $0x4000  }
.Ltmp0:
0x3d: {  	[sflag:s19] =	ssyncset.done $0x0;
	(pc) =	sbr.rel @p0 .LBB2_2-.Ltmp0, $4  }
0x3e: {  	[sflag:s19] =	ssyncadd.s32 $0xFFFFC000  }
0x3f: {  	[spmem:s3] =	stream.indirect.scatter.add.f32 [tilespmem:s18], [sflag:$0x1], $0x80, s4, s18, $0xb8;
	[tilespmem:$0x18080] =	vst v63  }
0x40: {  	_ =	swait.ge [sflag:s19], $0x4000  }
0x41: {  	s23 =	smov.u32 s25;
	s21 =	sadd.s32 $0x800, s21;
	[sflag:s19] =	ssyncset.done $0x0  }
0x42: {  	s22 =	sadd.s32 s22, s17;
	[sflag:s19] =	ssyncadd.s32 $0xFFFFC000  }
0x43: {  	[tilespmem:s4], [sflag:$0x1] =	stream.linear.gather [hbm4b:s22+s4], $0x80, $0x38;
	[tilespmem:$0x18080] =	vst v63  }
0x44: {  	_ =	swait.ge [sflag:s19], $0x80  }
0x45: {  	[sflag:s19] =	ssyncset.done $0x0  }
0x46: {  	[sflag:s19] =	ssyncadd.s32 $0xFFFFFF80  }
0x47: {  	[tilespmem:s18], [sflag:$0x1] =	stream.linear.gather [hbm4b:s21+s4], $0x4000, $0x38;
	[tilespmem:$0x18080] =	vst v63  }
0x48: {  	_ =	swait.ge [sflag:s19], $0x4000  }
0x49: {  	[sflag:s19] =	ssyncset.done $0x0  }
0x4a: {  	[sflag:s19] =	ssyncadd.s32 $0xFFFFC000  }
0x4b: {  	[spmem:s3] =	stream.indirect.scatter.add.f32 [tilespmem:s18], [sflag:$0x1], $0x80, s4, s18, $0xb8;
	[tilespmem:$0x18080] =	vst v63  }
0x4c: {  	_ =	swait.ge [sflag:s19], $0x4000  }
0x4d: {  	[sflag:s19] =	ssyncset.done $0x0  }
0x4e: {  	[sflag:s19] =	ssyncadd.s32 $0xFFFFC000  }
0x4f: {  	[bflag:$0x0] =	sbarrier.arrive $0xFFFF  }
0x50: {  	[tilespmem:s18], [sflag:$0x1] =	stream.linear.gather [spmem:s5], $0x4000, $0x38;
	[tilespmem:$0x18080] =	vst v63  }
0x51: {  	_ =	swait.ge [sflag:s19], $0x4000  }
0x52: {  	[sflag:s19] =	ssyncset.done $0x0  }
0x53: {  	[sflag:s19] =	ssyncadd.s32 $0xFFFFC000  }
0x54: {  	[hbm4b:s10+s4] =	stream.linear.scatter [tilespmem:s18], [sflag:$0x1], $0x4000, $0x38;
	[tilespmem:$0x18080] =	vst v63  }
0x55: {  	_ =	swait.ge [sflag:s19], $0x4000  }
0x56: {  	[sflag:s19] =	ssyncset.done $0x0  }
0x57: {  	[sflag:s19] =	ssyncadd.s32 $0xFFFFC000  }
0x58: {  	[tilespmem:s18], [sflag:$0x1] =	stream.linear.gather [spmem:s6], $0x4000, $0x38;
	[tilespmem:$0x18080] =	vst v63  }
0x59: {  	_ =	swait.ge [sflag:s19], $0x4000  }
0x5a: {  	[sflag:s19] =	ssyncset.done $0x0  }
0x5b: {  	[sflag:s19] =	ssyncadd.s32 $0xFFFFC000  }
0x5c: {  	[hbm4b:s11+s4] =	stream.linear.scatter [tilespmem:s18], [sflag:$0x1], $0x4000, $0x38;
	[tilespmem:$0x18080] =	vst v63  }
0x5d: {  	_ =	swait.ge [sflag:s19], $0x4000  }
0x5e: {  	[sflag:s19] =	ssyncset.done $0x0  }
0x5f: {  	[sflag:s19] =	ssyncadd.s32 $0xFFFFC000  }
0x60: {  	[tilespmem:s18], [sflag:$0x1] =	stream.linear.gather [spmem:s7], $0x4000, $0x38;
	[tilespmem:$0x18080] =	vst v63  }
0x61: {  	_ =	swait.ge [sflag:s19], $0x4000  }
0x62: {  	[sflag:s19] =	ssyncset.done $0x0  }
0x63: {  	[sflag:s19] =	ssyncadd.s32 $0xFFFFC000  }
0x64: {  	[hbm4b:s12+s4] =	stream.linear.scatter [tilespmem:s18], [sflag:$0x1], $0x4000, $0x38;
	[tilespmem:$0x18080] =	vst v63  }
0x65: {  	_ =	swait.ge [sflag:s19], $0x4000  }
0x66: {  	[sflag:s19] =	ssyncset.done $0x0  }
0x67: {  	[sflag:s19] =	ssyncadd.s32 $0xFFFFC000  }
0x68: {  	[tilespmem:s18], [sflag:$0x1] =	stream.linear.gather [spmem:s8], $0x4000, $0x38;
	[tilespmem:$0x18080] =	vst v63  }
0x69: {  	_ =	swait.ge [sflag:s19], $0x4000  }
0x6a: {  	[sflag:s19] =	ssyncset.done $0x0  }
0x6b: {  	[sflag:s19] =	ssyncadd.s32 $0xFFFFC000  }
0x6c: {  	[hbm4b:s13+s4] =	stream.linear.scatter [tilespmem:s18], [sflag:$0x1], $0x4000, $0x38;
	[tilespmem:$0x18080] =	vst v63  }
0x6d: {  	_ =	swait.ge [sflag:s19], $0x4000  }
0x6e: {  	[sflag:s19] =	ssyncset.done $0x0  }
0x6f: {  	[sflag:s19] =	ssyncadd.s32 $0xFFFFC000  }
0x70: {  	[tilespmem:s18], [sflag:$0x1] =	stream.linear.gather [spmem:s9], $0x4000, $0x38;
	[tilespmem:$0x18080] =	vst v63  }
0x71: {  	s20 =	sadd.s32 $0x1, s20;
	_ =	swait.ge [sflag:s19], $0x4000  }
0x72: {  	p0 =	sne.s32 s20, s15;
	[sflag:s19] =	ssyncset.done $0x0  }
.Ltmp1:
0x73: {  	[sflag:s19] =	ssyncadd.s32 $0xFFFFC000;
	(pc) =	sbr.rel @p0 .LBB2_1-.Ltmp1, $4  }
0x74: {  	[hbm4b:s14+s4] =	stream.linear.scatter [tilespmem:s18], [sflag:$0x1], $0x4000, $0x38;
	[tilespmem:$0x18080] =	vst v63  }
0x75: {  	_ =	swait.ge [sflag:s19], $0x4000  }
0x76: {  	[sflag:s19] =	ssyncset.done $0x0  }
0x77: {  	[sflag:s19] =	ssyncadd.s32 $0xFFFFC000  }
0x78: {  	_ =	sfence.sel $0x180000  }
0x79: {  	[bflag:$0x0] =	sbarrier.arrive $0xFFFF  }
0x7a: {  	p0 =	sne.s32 s0, $0x0;
	_ =	strace $0x90000047  }
0x7b: {  	s0 =	sadd.s32 @!p0 $0x100000, s1;
	[bflag:$0x2] =	sbarrier.arrive $0xFFFF  }
0x7c: {  	[sflag:s0] =	ssyncadd.tile.s32 @!p0 $0x1;
	_ =	shalt  }
.Lfunc_end2:
_tile_overlayer_lowered:
.L_overlay_start_2:
0x7d: {  	(tag) =	ssettag $0x2  }
0x7e: {  	s0 =	rddreg [dreg:$0x0];
	s2 =	stileid.u32  }
0x7f: {  	s1 =	rddreg [dreg:$0x1];
	p0 =	sne.s32 s2, $0x0  }
0x80: {  	s3 =	rddreg [dreg:$0x2];
	[bflag:$0x3] =	sbarrier.arrive $0xFFFF;
	s2 =	simm.s32 @!p0 $0x1C01  }
0x81: {  	[timem:s3], [sflag:s2] =	dma.local @!p0 [hbm:s0], s1  }
0x82: {  	s0 =	simm.s32 @!p0 $0x1  }
0x83: {  	_ =	swait.ge @!p0 [sflag:s0], s1  }
0x84: {  	s1 =	ssub.s32 @!p0 $0x0, s1;
	[sflag:s0] =	ssyncset.done @!p0 $0x0  }
0x85: {  	[sflag:s0] =	ssyncadd.s32 @!p0 s1  }
0x86: {  	[bflag:$0x3] =	sbarrier.arrive $0xFFFF  }
0x87: {  	_ =	shalt  }

</sc_bundles>
